<compile_context>
chip_gen: v7x
topology: tpu7x:2x2x1
jax: 0.10.2.dev20260603
libtpu: 0.0.44.dev20260713+nightly
codegen_flags: <defaults>
</compile_context>

<pallas_src>
import functools
import jax
import jax.numpy as jnp
from jax import lax
from jax.experimental import pallas as pl
from jax.experimental.pallas import tpu as pltpu
from jax.experimental.pallas import tpu_sc as plsc

_R = 48
_NW = 32


def _transpose_panel(in_ref, out_ref, e_panel, hw):
    idxs = [lax.iota(jnp.int32, 16) + 16 * k for k in range(e_panel // 16)]

    def body(j, carry):
        jv = jnp.full((16,), j, dtype=jnp.int32)
        for k in range(e_panel // 16):
            v = plsc.load_gather(in_ref, [idxs[k], jv])
            out_ref[j, pl.ds(16 * k, 16)] = v
        return carry

    lax.fori_loop(0, hw, body, 0, unroll=8)


def _sc_body(x_hbm, o_hbm, in_v, out_v, in_sem, out_sem):
    b, e, hw = x_hbm.shape
    panels_per_b = e // _R
    ntasks = b * panels_per_b
    per_w = ntasks // _NW
    wid = lax.axis_index("s") * 2 + lax.axis_index("c")

    def task(s):
        t = wid * per_w + s
        i = t // panels_per_b
        r0 = (t % panels_per_b) * _R
        return i, r0

    def start_in(s, buf):
        i, r0 = task(s)
        pltpu.make_async_copy(
            x_hbm.at[i, pl.ds(r0, _R), :], in_v.at[buf], in_sem.at[buf]
        ).start()

    def wait_in(s, buf):
        i, r0 = task(s)
        pltpu.make_async_copy(
            x_hbm.at[i, pl.ds(r0, _R), :], in_v.at[buf], in_sem.at[buf]
        ).wait()

    def start_out(s, buf):
        i, r0 = task(s)
        pltpu.make_async_copy(
            out_v.at[buf], o_hbm.at[i, :, pl.ds(r0, _R)], out_sem.at[buf]
        ).start()

    def wait_out(s, buf):
        i, r0 = task(s)
        pltpu.make_async_copy(
            out_v.at[buf], o_hbm.at[i, :, pl.ds(r0, _R)], out_sem.at[buf]
        ).wait()

    start_in(0, 0)
    for s in range(per_w):
        buf = s % 2
        wait_in(s, buf)
        if s + 1 < per_w:
            start_in(s + 1, 1 - buf)
        if s >= 2:
            wait_out(s - 2, buf)
        start_out(s, buf)
    for s in range(max(per_w - 2, 0), per_w):
        wait_out(s, s % 2)


def kernel(input):
    b, e, h, w = input.shape
    hw = h * w
    x = input.reshape(b, e, hw)
    mesh = plsc.VectorSubcoreMesh(core_axis_name="c", subcore_axis_name="s")
    run = functools.partial(
        pl.kernel,
        mesh=mesh,
        out_type=jax.ShapeDtypeStruct((b, hw, e), x.dtype),
        compiler_params=pltpu.CompilerParams(use_tc_tiling_on_sc=False, needs_layout_passes=False),
        scratch_types=[
            pltpu.VMEM((2, _R, hw), x.dtype),
            pltpu.VMEM((2, hw, _R), x.dtype),
            pltpu.SemaphoreType.DMA((2,)),
            pltpu.SemaphoreType.DMA((2,)),
        ],
    )(_sc_body)
    out = run(x)
    length = jnp.full((b,), True, dtype=bool)
    return (out, length)

# --- scband reference (transcript-rebuilt; emitter-appended) ---
"""Pipeline reference for scband-patchout-2130303779227 (READ-ONLY COPY).

The authoritative reference and input builder live on the scoring server;
editing this copy changes nothing except your own understanding.
"""

import jax, jax.numpy as jnp
import numpy as np


def setup_inputs(seed: int = 0) -> dict:
    key = jax.random.key(seed)
    input = jax.random.normal(key, (16, 768, 24, 24), dtype=jnp.float32)
    return {"input": input}


def reference(input):
    # Patchout base class is not subclassed, so create_unbatched_keeping_mask
    # returns None and the training branch is not executable. The only
    # runnable path is eval mode (self.training == False), which we
    # translate faithfully here.
    batch_size, embedding_dim, height, width = input.shape
    x = input.reshape(batch_size, embedding_dim, height * width)
    output = jnp.transpose(x, (0, 2, 1))
    # Faithful to the original (buggy) dtype: torch.full(..., fill_value=h*w,
    # dtype=torch.bool) yields all-True booleans.
    length = jnp.full((batch_size,), height * width, dtype=bool)
    return (output, length)

if __name__ == "__main__":
    import jax
    _d = setup_inputs()
    print(jax.jit(kernel)(*tuple(_d.values())))

</pallas_src>

<mosaic_0001>
#map = affine_map<(d0, d1) -> (0, 0, 0)>
module attributes {stable_mosaic.version = 14 : i64} {
  func.func @_sc_body(%arg0: i32, %arg1: i32, %arg2: memref<16x768x576xf32, #tpu.memory_space<hbm>>, %arg3: memref<16x576x768xf32, #tpu.memory_space<hbm>>, %arg4: memref<2x48x576xf32, #tpu.memory_space<vmem>>, %arg5: memref<2x576x48xf32, #tpu.memory_space<vmem>>, %arg6: memref<2x!tpu.dma_semaphore, #tpu.memory_space<semaphore_mem>>, %arg7: memref<2x!tpu.dma_semaphore, #tpu.memory_space<semaphore_mem>>) attributes {dimension_semantics = [#tpu.dimension_semantics<core_parallel>, #tpu.dimension_semantics<subcore_parallel>], iteration_bounds = array<i64: 2, 16>, scalar_prefetch = 0 : i64, scratch_operands = 4 : i64, tpu.core_type = #tpu.core_type<sc_vector_subcore>, window_params = [{transform_indices = #map}, {transform_indices = #map}]} {
    %mul3A = arith.constant 2 : i32
    %mul3A_0 = arith.muli %arg1, %mul3A : i32
    %add3A = arith.addi %mul3A_0, %arg0 : i32
    %mul3A_1 = arith.constant 8 : i32
    %mul3A_2 = arith.muli %add3A, %mul3A_1 : i32
    %add3A_3 = arith.constant 0 : i32
    %add3A_4 = arith.addi %mul3A_2, %add3A_3 : i32
    %jit3A = arith.constant 16 : i32
    %div3A = arith.divsi %add3A_4, %jit3A : i32
    %sign3A = arith.constant 0 : i32
    %sign3A_5 = arith.cmpi sgt, %add3A_4, %sign3A : i32
    %sign3A_6 = arith.extui %sign3A_5 : i1 to i32
    %sign3A_7 = arith.constant 0 : i32
    %sign3A_8 = arith.cmpi slt, %add3A_4, %sign3A_7 : i32
    %sign3A_9 = arith.extui %sign3A_8 : i1 to i32
    %sign3A_10 = arith.subi %sign3A_6, %sign3A_9 : i32
    %sign3A_11 = arith.constant 0 : i32
    %sign3A_12 = arith.cmpi sgt, %jit3A, %sign3A_11 : i32
    %sign3A_13 = arith.extui %sign3A_12 : i1 to i32
    %sign3A_14 = arith.constant 0 : i32
    %sign3A_15 = arith.cmpi slt, %jit3A, %sign3A_14 : i32
    %sign3A_16 = arith.extui %sign3A_15 : i1 to i32
    %sign3A_17 = arith.subi %sign3A_13, %sign3A_16 : i32
    %ne3A = arith.cmpi ne, %sign3A_10, %sign3A_17 : i32
    %rem3A = arith.remsi %add3A_4, %jit3A : i32
    %ne3A_18 = arith.constant 0 : i32
    %ne3A_19 = arith.cmpi ne, %rem3A, %ne3A_18 : i32
    %and3A = arith.andi %ne3A, %ne3A_19 : i1
    %sub3A = arith.constant 1 : i32
    %sub3A_20 = arith.subi %div3A, %sub3A : i32
    %select_n3A = arith.select %and3A, %sub3A_20, %div3A : i32
    %jit3A_21 = arith.constant 16 : i32
    %eq3A = arith.constant 0 : i32
    %eq3A_22 = arith.cmpi eq, %jit3A_21, %eq3A : i32
    %jit3A_23 = arith.constant 1 : i32
    %select_n3A_24 = arith.select %eq3A_22, %jit3A_23, %jit3A_21 : i32
    %rem3A_25 = arith.remsi %add3A_4, %select_n3A_24 : i32
    %ne3A_26 = arith.constant 0 : i32
    %ne3A_27 = arith.cmpi ne, %rem3A_25, %ne3A_26 : i32
    %lt3A = arith.constant 0 : i32
    %lt3A_28 = arith.cmpi slt, %rem3A_25, %lt3A : i32
    %lt3A_29 = arith.constant 0 : i32
    %lt3A_30 = arith.cmpi slt, %select_n3A_24, %lt3A_29 : i32
    %ne3A_31 = arith.xori %lt3A_28, %lt3A_30 : i1
    %and3A_32 = arith.andi %ne3A_31, %ne3A_27 : i1
    %add3A_33 = arith.addi %rem3A_25, %select_n3A_24 : i32
    %select_n3A_34 = arith.select %and3A_32, %add3A_33, %rem3A_25 : i32
    %mul3A_35 = arith.constant 48 : i32
    %mul3A_36 = arith.muli %select_n3A_34, %mul3A_35 : i32
    %dma_start3A = arith.constant 0 : i32
    %dma_start3A_37 = arith.constant 0 : i32
    %dma_start3A_38 = arith.constant 0 : i32
    %dma_start3A_39 = arith.constant 0 : i32
    %dma_start3A_40 = tpu.memref_slice %arg4[%dma_start3A, %dma_start3A_38, %dma_start3A_39] : memref<2x48x576xf32, #tpu.memory_space<vmem>> -> memref<1x48x576xf32, #tpu.memory_space<vmem>>
    %dma_start3A_41 = tpu.memref_squeeze %dma_start3A_40 : memref<1x48x576xf32, #tpu.memory_space<vmem>> -> memref<48x576xf32, #tpu.memory_space<vmem>>
    %dma_start3A_42 = arith.constant 0 : i32
    %dma_start3A_43 = tpu.memref_slice %arg2[%select_n3A, %mul3A_36, %dma_start3A_42] : memref<16x768x576xf32, #tpu.memory_space<hbm>> -> memref<1x48x576xf32, #tpu.memory_space<hbm>>
    %dma_start3A_44 = tpu.memref_squeeze %dma_start3A_43 : memref<1x48x576xf32, #tpu.memory_space<hbm>> -> memref<48x576xf32, #tpu.memory_space<hbm>>
    %dma_start3A_45 = tpu.memref_slice %arg6[%dma_start3A_37] : memref<2x!tpu.dma_semaphore, #tpu.memory_space<semaphore_mem>> -> memref<1x!tpu.dma_semaphore, #tpu.memory_space<semaphore_mem>>
    %dma_start3A_46 = tpu.memref_squeeze %dma_start3A_45 : memref<1x!tpu.dma_semaphore, #tpu.memory_space<semaphore_mem>> -> memref<!tpu.dma_semaphore, #tpu.memory_space<semaphore_mem>>
    %dma_start3A_47 = arith.constant 0 : i32
    %dma_start3A_48 = arith.constant 0 : i32
    %dma_start3A_49 = tpu.memref_slice %arg4[%dma_start3A, %dma_start3A_47, %dma_start3A_48] : memref<2x48x576xf32, #tpu.memory_space<vmem>> -> memref<1x48x576xf32, #tpu.memory_space<vmem>>
    %dma_start3A_50 = tpu.memref_squeeze %dma_start3A_49 : memref<1x48x576xf32, #tpu.memory_space<vmem>> -> memref<48x576xf32, #tpu.memory_space<vmem>>
    %dma_start3A_51 = arith.constant 0 : i32
    %dma_start3A_52 = tpu.memref_slice %arg2[%select_n3A, %mul3A_36, %dma_start3A_51] : memref<16x768x576xf32, #tpu.memory_space<hbm>> -> memref<1x48x576xf32, #tpu.memory_space<hbm>>
    %dma_start3A_53 = tpu.memref_squeeze %dma_start3A_52 : memref<1x48x576xf32, #tpu.memory_space<hbm>> -> memref<48x576xf32, #tpu.memory_space<hbm>>
    tpu.enqueue_dma source(%dma_start3A_53 : memref<48x576xf32, #tpu.memory_space<hbm>>) target(%dma_start3A_50 : memref<48x576xf32, #tpu.memory_space<vmem>>) target_semaphore(%dma_start3A_46 : memref<!tpu.dma_semaphore, #tpu.memory_space<semaphore_mem>>)
    %mul3A_54 = arith.constant 8 : i32
    %mul3A_55 = arith.muli %add3A, %mul3A_54 : i32
    %add3A_56 = arith.constant 0 : i32
    %add3A_57 = arith.addi %mul3A_55, %add3A_56 : i32
    %jit3A_58 = arith.constant 16 : i32
    %div3A_59 = arith.divsi %add3A_57, %jit3A_58 : i32
    %sign3A_60 = arith.constant 0 : i32
    %sign3A_61 = arith.cmpi sgt, %add3A_57, %sign3A_60 : i32
    %sign3A_62 = arith.extui %sign3A_61 : i1 to i32
    %sign3A_63 = arith.constant 0 : i32
    %sign3A_64 = arith.cmpi slt, %add3A_57, %sign3A_63 : i32
    %sign3A_65 = arith.extui %sign3A_64 : i1 to i32
    %sign3A_66 = arith.subi %sign3A_62, %sign3A_65 : i32
    %sign3A_67 = arith.constant 0 : i32
    %sign3A_68 = arith.cmpi sgt, %jit3A_58, %sign3A_67 : i32
    %sign3A_69 = arith.extui %sign3A_68 : i1 to i32
    %sign3A_70 = arith.constant 0 : i32
    %sign3A_71 = arith.cmpi slt, %jit3A_58, %sign3A_70 : i32
    %sign3A_72 = arith.extui %sign3A_71 : i1 to i32
    %sign3A_73 = arith.subi %sign3A_69, %sign3A_72 : i32
    %ne3A_74 = arith.cmpi ne, %sign3A_66, %sign3A_73 : i32
    %rem3A_75 = arith.remsi %add3A_57, %jit3A_58 : i32
    %ne3A_76 = arith.constant 0 : i32
    %ne3A_77 = arith.cmpi ne, %rem3A_75, %ne3A_76 : i32
    %and3A_78 = arith.andi %ne3A_74, %ne3A_77 : i1
    %sub3A_79 = arith.constant 1 : i32
    %sub3A_80 = arith.subi %div3A_59, %sub3A_79 : i32
    %select_n3A_81 = arith.select %and3A_78, %sub3A_80, %div3A_59 : i32
    %jit3A_82 = arith.constant 16 : i32
    %eq3A_83 = arith.constant 0 : i32
    %eq3A_84 = arith.cmpi eq, %jit3A_82, %eq3A_83 : i32
    %jit3A_85 = arith.constant 1 : i32
    %select_n3A_86 = arith.select %eq3A_84, %jit3A_85, %jit3A_82 : i32
    %rem3A_87 = arith.remsi %add3A_57, %select_n3A_86 : i32
    %ne3A_88 = arith.constant 0 : i32
    %ne3A_89 = arith.cmpi ne, %rem3A_87, %ne3A_88 : i32
    %lt3A_90 = arith.constant 0 : i32
    %lt3A_91 = arith.cmpi slt, %rem3A_87, %lt3A_90 : i32
    %lt3A_92 = arith.constant 0 : i32
    %lt3A_93 = arith.cmpi slt, %select_n3A_86, %lt3A_92 : i32
    %ne3A_94 = arith.xori %lt3A_91, %lt3A_93 : i1
    %and3A_95 = arith.andi %ne3A_94, %ne3A_89 : i1
    %add3A_96 = arith.addi %rem3A_87, %select_n3A_86 : i32
    %select_n3A_97 = arith.select %and3A_95, %add3A_96, %rem3A_87 : i32
    %mul3A_98 = arith.constant 48 : i32
    %mul3A_99 = arith.muli %select_n3A_97, %mul3A_98 : i32
    %dma_wait3A = arith.constant 0 : i32
    %dma_wait3A_100 = arith.constant 0 : i32
    %dma_wait3A_101 = arith.constant 0 : i32
    %dma_wait3A_102 = arith.constant 0 : i32
    %dma_wait3A_103 = tpu.memref_slice %arg4[%dma_wait3A, %dma_wait3A_101, %dma_wait3A_102] : memref<2x48x576xf32, #tpu.memory_space<vmem>> -> memref<1x48x576xf32, #tpu.memory_space<vmem>>
    %dma_wait3A_104 = tpu.memref_squeeze %dma_wait3A_103 : memref<1x48x576xf32, #tpu.memory_space<vmem>> -> memref<48x576xf32, #tpu.memory_space<vmem>>
    %dma_wait3A_105 = arith.constant 0 : i32
    %dma_wait3A_106 = tpu.memref_slice %arg2[%select_n3A_81, %mul3A_99, %dma_wait3A_105] : memref<16x768x576xf32, #tpu.memory_space<hbm>> -> memref<1x48x576xf32, #tpu.memory_space<hbm>>
    %dma_wait3A_107 = tpu.memref_squeeze %dma_wait3A_106 : memref<1x48x576xf32, #tpu.memory_space<hbm>> -> memref<48x576xf32, #tpu.memory_space<hbm>>
    %dma_wait3A_108 = tpu.memref_slice %arg6[%dma_wait3A_100] : memref<2x!tpu.dma_semaphore, #tpu.memory_space<semaphore_mem>> -> memref<1x!tpu.dma_semaphore, #tpu.memory_space<semaphore_mem>>
    %dma_wait3A_109 = tpu.memref_squeeze %dma_wait3A_108 : memref<1x!tpu.dma_semaphore, #tpu.memory_space<semaphore_mem>> -> memref<!tpu.dma_semaphore, #tpu.memory_space<semaphore_mem>>
    %dma_wait3A_110 = arith.constant 0 : i32
    %dma_wait3A_111 = arith.constant 0 : i32
    %dma_wait3A_112 = tpu.memref_slice %arg4[%dma_wait3A, %dma_wait3A_110, %dma_wait3A_111] : memref<2x48x576xf32, #tpu.memory_space<vmem>> -> memref<1x48x576xf32, #tpu.memory_space<vmem>>
    %dma_wait3A_113 = tpu.memref_squeeze %dma_wait3A_112 : memref<1x48x576xf32, #tpu.memory_space<vmem>> -> memref<48x576xf32, #tpu.memory_space<vmem>>
    %dma_wait3A_114 = arith.constant 0 : i32
    %dma_wait3A_115 = tpu.memref_slice %arg2[%select_n3A_81, %mul3A_99, %dma_wait3A_114] : memref<16x768x576xf32, #tpu.memory_space<hbm>> -> memref<1x48x576xf32, #tpu.memory_space<hbm>>
    %dma_wait3A_116 = tpu.memref_squeeze %dma_wait3A_115 : memref<1x48x576xf32, #tpu.memory_space<hbm>> -> memref<48x576xf32, #tpu.memory_space<hbm>>
    tpu.wait_dma2 semaphore(%dma_wait3A_109 : memref<!tpu.dma_semaphore, #tpu.memory_space<semaphore_mem>>) src(%dma_wait3A_116 : memref<48x576xf32, #tpu.memory_space<hbm>>) dst(%dma_wait3A_113 : memref<48x576xf32, #tpu.memory_space<vmem>>)
    %mul3A_117 = arith.constant 8 : i32
    %mul3A_118 = arith.muli %add3A, %mul3A_117 : i32
    %add3A_119 = arith.constant 1 : i32
    %add3A_120 = arith.addi %mul3A_118, %add3A_119 : i32
    %jit3A_121 = arith.constant 16 : i32
    %div3A_122 = arith.divsi %add3A_120, %jit3A_121 : i32
    %sign3A_123 = arith.constant 0 : i32
    %sign3A_124 = arith.cmpi sgt, %add3A_120, %sign3A_123 : i32
    %sign3A_125 = arith.extui %sign3A_124 : i1 to i32
    %sign3A_126 = arith.constant 0 : i32
    %sign3A_127 = arith.cmpi slt, %add3A_120, %sign3A_126 : i32
    %sign3A_128 = arith.extui %sign3A_127 : i1 to i32
    %sign3A_129 = arith.subi %sign3A_125, %sign3A_128 : i32
    %sign3A_130 = arith.constant 0 : i32
    %sign3A_131 = arith.cmpi sgt, %jit3A_121, %sign3A_130 : i32
    %sign3A_132 = arith.extui %sign3A_131 : i1 to i32
    %sign3A_133 = arith.constant 0 : i32
    %sign3A_134 = arith.cmpi slt, %jit3A_121, %sign3A_133 : i32
    %sign3A_135 = arith.extui %sign3A_134 : i1 to i32
    %sign3A_136 = arith.subi %sign3A_132, %sign3A_135 : i32
    %ne3A_137 = arith.cmpi ne, %sign3A_129, %sign3A_136 : i32
    %rem3A_138 = arith.remsi %add3A_120, %jit3A_121 : i32
    %ne3A_139 = arith.constant 0 : i32
    %ne3A_140 = arith.cmpi ne, %rem3A_138, %ne3A_139 : i32
    %and3A_141 = arith.andi %ne3A_137, %ne3A_140 : i1
    %sub3A_142 = arith.constant 1 : i32
    %sub3A_143 = arith.subi %div3A_122, %sub3A_142 : i32
    %select_n3A_144 = arith.select %and3A_141, %sub3A_143, %div3A_122 : i32
    %jit3A_145 = arith.constant 16 : i32
    %eq3A_146 = arith.constant 0 : i32
    %eq3A_147 = arith.cmpi eq, %jit3A_145, %eq3A_146 : i32
    %jit3A_148 = arith.constant 1 : i32
    %select_n3A_149 = arith.select %eq3A_147, %jit3A_148, %jit3A_145 : i32
    %rem3A_150 = arith.remsi %add3A_120, %select_n3A_149 : i32
    %ne3A_151 = arith.constant 0 : i32
    %ne3A_152 = arith.cmpi ne, %rem3A_150, %ne3A_151 : i32
    %lt3A_153 = arith.constant 0 : i32
    %lt3A_154 = arith.cmpi slt, %rem3A_150, %lt3A_153 : i32
    %lt3A_155 = arith.constant 0 : i32
    %lt3A_156 = arith.cmpi slt, %select_n3A_149, %lt3A_155 : i32
    %ne3A_157 = arith.xori %lt3A_154, %lt3A_156 : i1
    %and3A_158 = arith.andi %ne3A_157, %ne3A_152 : i1
    %add3A_159 = arith.addi %rem3A_150, %select_n3A_149 : i32
    %select_n3A_160 = arith.select %and3A_158, %add3A_159, %rem3A_150 : i32
    %mul3A_161 = arith.constant 48 : i32
    %mul3A_162 = arith.muli %select_n3A_160, %mul3A_161 : i32
    %dma_start3A_163 = arith.constant 1 : i32
    %dma_start3A_164 = arith.constant 1 : i32
    %dma_start3A_165 = arith.constant 0 : i32
    %dma_start3A_166 = arith.constant 0 : i32
    %dma_start3A_167 = tpu.memref_slice %arg4[%dma_start3A_163, %dma_start3A_165, %dma_start3A_166] : memref<2x48x576xf32, #tpu.memory_space<vmem>> -> memref<1x48x576xf32, #tpu.memory_space<vmem>>
    %dma_start3A_168 = tpu.memref_squeeze %dma_start3A_167 : memref<1x48x576xf32, #tpu.memory_space<vmem>> -> memref<48x576xf32, #tpu.memory_space<vmem>>
    %dma_start3A_169 = arith.constant 0 : i32
    %dma_start3A_170 = tpu.memref_slice %arg2[%select_n3A_144, %mul3A_162, %dma_start3A_169] : memref<16x768x576xf32, #tpu.memory_space<hbm>> -> memref<1x48x576xf32, #tpu.memory_space<hbm>>
    %dma_start3A_171 = tpu.memref_squeeze %dma_start3A_170 : memref<1x48x576xf32, #tpu.memory_space<hbm>> -> memref<48x576xf32, #tpu.memory_space<hbm>>
    %dma_start3A_172 = tpu.memref_slice %arg6[%dma_start3A_164] : memref<2x!tpu.dma_semaphore, #tpu.memory_space<semaphore_mem>> -> memref<1x!tpu.dma_semaphore, #tpu.memory_space<semaphore_mem>>
    %dma_start3A_173 = tpu.memref_squeeze %dma_start3A_172 : memref<1x!tpu.dma_semaphore, #tpu.memory_space<semaphore_mem>> -> memref<!tpu.dma_semaphore, #tpu.memory_space<semaphore_mem>>
    %dma_start3A_174 = arith.constant 0 : i32
    %dma_start3A_175 = arith.constant 0 : i32
    %dma_start3A_176 = tpu.memref_slice %arg4[%dma_start3A_163, %dma_start3A_174, %dma_start3A_175] : memref<2x48x576xf32, #tpu.memory_space<vmem>> -> memref<1x48x576xf32, #tpu.memory_space<vmem>>
    %dma_start3A_177 = tpu.memref_squeeze %dma_start3A_176 : memref<1x48x576xf32, #tpu.memory_space<vmem>> -> memref<48x576xf32, #tpu.memory_space<vmem>>
    %dma_start3A_178 = arith.constant 0 : i32
    %dma_start3A_179 = tpu.memref_slice %arg2[%select_n3A_144, %mul3A_162, %dma_start3A_178] : memref<16x768x576xf32, #tpu.memory_space<hbm>> -> memref<1x48x576xf32, #tpu.memory_space<hbm>>
    %dma_start3A_180 = tpu.memref_squeeze %dma_start3A_179 : memref<1x48x576xf32, #tpu.memory_space<hbm>> -> memref<48x576xf32, #tpu.memory_space<hbm>>
    tpu.enqueue_dma source(%dma_start3A_180 : memref<48x576xf32, #tpu.memory_space<hbm>>) target(%dma_start3A_177 : memref<48x576xf32, #tpu.memory_space<vmem>>) target_semaphore(%dma_start3A_173 : memref<!tpu.dma_semaphore, #tpu.memory_space<semaphore_mem>>)
    %mul3A_181 = arith.constant 8 : i32
    %mul3A_182 = arith.muli %add3A, %mul3A_181 : i32
    %add3A_183 = arith.constant 0 : i32
    %add3A_184 = arith.addi %mul3A_182, %add3A_183 : i32
    %jit3A_185 = arith.constant 16 : i32
    %div3A_186 = arith.divsi %add3A_184, %jit3A_185 : i32
    %sign3A_187 = arith.constant 0 : i32
    %sign3A_188 = arith.cmpi sgt, %add3A_184, %sign3A_187 : i32
    %sign3A_189 = arith.extui %sign3A_188 : i1 to i32
    %sign3A_190 = arith.constant 0 : i32
    %sign3A_191 = arith.cmpi slt, %add3A_184, %sign3A_190 : i32
    %sign3A_192 = arith.extui %sign3A_191 : i1 to i32
    %sign3A_193 = arith.subi %sign3A_189, %sign3A_192 : i32
    %sign3A_194 = arith.constant 0 : i32
    %sign3A_195 = arith.cmpi sgt, %jit3A_185, %sign3A_194 : i32
    %sign3A_196 = arith.extui %sign3A_195 : i1 to i32
    %sign3A_197 = arith.constant 0 : i32
    %sign3A_198 = arith.cmpi slt, %jit3A_185, %sign3A_197 : i32
    %sign3A_199 = arith.extui %sign3A_198 : i1 to i32
    %sign3A_200 = arith.subi %sign3A_196, %sign3A_199 : i32
    %ne3A_201 = arith.cmpi ne, %sign3A_193, %sign3A_200 : i32
    %rem3A_202 = arith.remsi %add3A_184, %jit3A_185 : i32
    %ne3A_203 = arith.constant 0 : i32
    %ne3A_204 = arith.cmpi ne, %rem3A_202, %ne3A_203 : i32
    %and3A_205 = arith.andi %ne3A_201, %ne3A_204 : i1
    %sub3A_206 = arith.constant 1 : i32
    %sub3A_207 = arith.subi %div3A_186, %sub3A_206 : i32
    %select_n3A_208 = arith.select %and3A_205, %sub3A_207, %div3A_186 : i32
    %jit3A_209 = arith.constant 16 : i32
    %eq3A_210 = arith.constant 0 : i32
    %eq3A_211 = arith.cmpi eq, %jit3A_209, %eq3A_210 : i32
    %jit3A_212 = arith.constant 1 : i32
    %select_n3A_213 = arith.select %eq3A_211, %jit3A_212, %jit3A_209 : i32
    %rem3A_214 = arith.remsi %add3A_184, %select_n3A_213 : i32
    %ne3A_215 = arith.constant 0 : i32
    %ne3A_216 = arith.cmpi ne, %rem3A_214, %ne3A_215 : i32
    %lt3A_217 = arith.constant 0 : i32
    %lt3A_218 = arith.cmpi slt, %rem3A_214, %lt3A_217 : i32
    %lt3A_219 = arith.constant 0 : i32
    %lt3A_220 = arith.cmpi slt, %select_n3A_213, %lt3A_219 : i32
    %ne3A_221 = arith.xori %lt3A_218, %lt3A_220 : i1
    %and3A_222 = arith.andi %ne3A_221, %ne3A_216 : i1
    %add3A_223 = arith.addi %rem3A_214, %select_n3A_213 : i32
    %select_n3A_224 = arith.select %and3A_222, %add3A_223, %rem3A_214 : i32
    %mul3A_225 = arith.constant 48 : i32
    %mul3A_226 = arith.muli %select_n3A_224, %mul3A_225 : i32
    %dma_start3A_227 = arith.constant 0 : i32
    %dma_start3A_228 = arith.constant 0 : i32
    %dma_start3A_229 = arith.constant 0 : i32
    %dma_start3A_230 = arith.constant 0 : i32
    %dma_start3A_231 = tpu.memref_slice %arg5[%dma_start3A_227, %dma_start3A_229, %dma_start3A_230] : memref<2x576x48xf32, #tpu.memory_space<vmem>> -> memref<1x576x48xf32, #tpu.memory_space<vmem>>
    %dma_start3A_232 = tpu.memref_squeeze %dma_start3A_231 : memref<1x576x48xf32, #tpu.memory_space<vmem>> -> memref<576x48xf32, #tpu.memory_space<vmem>>
    %dma_start3A_233 = arith.constant 0 : i32
    %dma_start3A_234 = tpu.memref_slice %arg3[%select_n3A_208, %dma_start3A_233, %mul3A_226] : memref<16x576x768xf32, #tpu.memory_space<hbm>> -> memref<1x576x48xf32, #tpu.memory_space<hbm>>
    %dma_start3A_235 = tpu.memref_squeeze %dma_start3A_234 : memref<1x576x48xf32, #tpu.memory_space<hbm>> -> memref<576x48xf32, #tpu.memory_space<hbm>>
    %dma_start3A_236 = tpu.memref_slice %arg7[%dma_start3A_228] : memref<2x!tpu.dma_semaphore, #tpu.memory_space<semaphore_mem>> -> memref<1x!tpu.dma_semaphore, #tpu.memory_space<semaphore_mem>>
    %dma_start3A_237 = tpu.memref_squeeze %dma_start3A_236 : memref<1x!tpu.dma_semaphore, #tpu.memory_space<semaphore_mem>> -> memref<!tpu.dma_semaphore, #tpu.memory_space<semaphore_mem>>
    %dma_start3A_238 = arith.constant 0 : i32
    %dma_start3A_239 = tpu.memref_slice %arg3[%select_n3A_208, %dma_start3A_238, %mul3A_226] : memref<16x576x768xf32, #tpu.memory_space<hbm>> -> memref<1x576x48xf32, #tpu.memory_space<hbm>>
    %dma_start3A_240 = tpu.memref_squeeze %dma_start3A_239 : memref<1x576x48xf32, #tpu.memory_space<hbm>> -> memref<576x48xf32, #tpu.memory_space<hbm>>
    %dma_start3A_241 = arith.constant 0 : i32
    %dma_start3A_242 = arith.constant 0 : i32
    %dma_start3A_243 = tpu.memref_slice %arg5[%dma_start3A_227, %dma_start3A_241, %dma_start3A_242] : memref<2x576x48xf32, #tpu.memory_space<vmem>> -> memref<1x576x48xf32, #tpu.memory_space<vmem>>
    %dma_start3A_244 = tpu.memref_squeeze %dma_start3A_243 : memref<1x576x48xf32, #tpu.memory_space<vmem>> -> memref<576x48xf32, #tpu.memory_space<vmem>>
    tpu.enqueue_dma source(%dma_start3A_244 : memref<576x48xf32, #tpu.memory_space<vmem>>) target(%dma_start3A_240 : memref<576x48xf32, #tpu.memory_space<hbm>>) target_semaphore(%dma_start3A_237 : memref<!tpu.dma_semaphore, #tpu.memory_space<semaphore_mem>>)
    %mul3A_245 = arith.constant 8 : i32
    %mul3A_246 = arith.muli %add3A, %mul3A_245 : i32
    %add3A_247 = arith.constant 1 : i32
    %add3A_248 = arith.addi %mul3A_246, %add3A_247 : i32
    %jit3A_249 = arith.constant 16 : i32
    %div3A_250 = arith.divsi %add3A_248, %jit3A_249 : i32
    %sign3A_251 = arith.constant 0 : i32
    %sign3A_252 = arith.cmpi sgt, %add3A_248, %sign3A_251 : i32
    %sign3A_253 = arith.extui %sign3A_252 : i1 to i32
    %sign3A_254 = arith.constant 0 : i32
    %sign3A_255 = arith.cmpi slt, %add3A_248, %sign3A_254 : i32
    %sign3A_256 = arith.extui %sign3A_255 : i1 to i32
    %sign3A_257 = arith.subi %sign3A_253, %sign3A_256 : i32
    %sign3A_258 = arith.constant 0 : i32
    %sign3A_259 = arith.cmpi sgt, %jit3A_249, %sign3A_258 : i32
    %sign3A_260 = arith.extui %sign3A_259 : i1 to i32
    %sign3A_261 = arith.constant 0 : i32
    %sign3A_262 = arith.cmpi slt, %jit3A_249, %sign3A_261 : i32
    %sign3A_263 = arith.extui %sign3A_262 : i1 to i32
    %sign3A_264 = arith.subi %sign3A_260, %sign3A_263 : i32
    %ne3A_265 = arith.cmpi ne, %sign3A_257, %sign3A_264 : i32
    %rem3A_266 = arith.remsi %add3A_248, %jit3A_249 : i32
    %ne3A_267 = arith.constant 0 : i32
    %ne3A_268 = arith.cmpi ne, %rem3A_266, %ne3A_267 : i32
    %and3A_269 = arith.andi %ne3A_265, %ne3A_268 : i1
    %sub3A_270 = arith.constant 1 : i32
    %sub3A_271 = arith.subi %div3A_250, %sub3A_270 : i32
    %select_n3A_272 = arith.select %and3A_269, %sub3A_271, %div3A_250 : i32
    %jit3A_273 = arith.constant 16 : i32
    %eq3A_274 = arith.constant 0 : i32
    %eq3A_275 = arith.cmpi eq, %jit3A_273, %eq3A_274 : i32
    %jit3A_276 = arith.constant 1 : i32
    %select_n3A_277 = arith.select %eq3A_275, %jit3A_276, %jit3A_273 : i32
    %rem3A_278 = arith.remsi %add3A_248, %select_n3A_277 : i32
    %ne3A_279 = arith.constant 0 : i32
    %ne3A_280 = arith.cmpi ne, %rem3A_278, %ne3A_279 : i32
    %lt3A_281 = arith.constant 0 : i32
    %lt3A_282 = arith.cmpi slt, %rem3A_278, %lt3A_281 : i32
    %lt3A_283 = arith.constant 0 : i32
    %lt3A_284 = arith.cmpi slt, %select_n3A_277, %lt3A_283 : i32
    %ne3A_285 = arith.xori %lt3A_282, %lt3A_284 : i1
    %and3A_286 = arith.andi %ne3A_285, %ne3A_280 : i1
    %add3A_287 = arith.addi %rem3A_278, %select_n3A_277 : i32
    %select_n3A_288 = arith.select %and3A_286, %add3A_287, %rem3A_278 : i32
    %mul3A_289 = arith.constant 48 : i32
    %mul3A_290 = arith.muli %select_n3A_288, %mul3A_289 : i32
    %dma_wait3A_291 = arith.constant 1 : i32
    %dma_wait3A_292 = arith.constant 1 : i32
    %dma_wait3A_293 = arith.constant 0 : i32
    %dma_wait3A_294 = arith.constant 0 : i32
    %dma_wait3A_295 = tpu.memref_slice %arg4[%dma_wait3A_291, %dma_wait3A_293, %dma_wait3A_294] : memref<2x48x576xf32, #tpu.memory_space<vmem>> -> memref<1x48x576xf32, #tpu.memory_space<vmem>>
    %dma_wait3A_296 = tpu.memref_squeeze %dma_wait3A_295 : memref<1x48x576xf32, #tpu.memory_space<vmem>> -> memref<48x576xf32, #tpu.memory_space<vmem>>
    %dma_wait3A_297 = arith.constant 0 : i32
    %dma_wait3A_298 = tpu.memref_slice %arg2[%select_n3A_272, %mul3A_290, %dma_wait3A_297] : memref<16x768x576xf32, #tpu.memory_space<hbm>> -> memref<1x48x576xf32, #tpu.memory_space<hbm>>
    %dma_wait3A_299 = tpu.memref_squeeze %dma_wait3A_298 : memref<1x48x576xf32, #tpu.memory_space<hbm>> -> memref<48x576xf32, #tpu.memory_space<hbm>>
    %dma_wait3A_300 = tpu.memref_slice %arg6[%dma_wait3A_292] : memref<2x!tpu.dma_semaphore, #tpu.memory_space<semaphore_mem>> -> memref<1x!tpu.dma_semaphore, #tpu.memory_space<semaphore_mem>>
    %dma_wait3A_301 = tpu.memref_squeeze %dma_wait3A_300 : memref<1x!tpu.dma_semaphore, #tpu.memory_space<semaphore_mem>> -> memref<!tpu.dma_semaphore, #tpu.memory_space<semaphore_mem>>
    %dma_wait3A_302 = arith.constant 0 : i32
    %dma_wait3A_303 = arith.constant 0 : i32
    %dma_wait3A_304 = tpu.memref_slice %arg4[%dma_wait3A_291, %dma_wait3A_302, %dma_wait3A_303] : memref<2x48x576xf32, #tpu.memory_space<vmem>> -> memref<1x48x576xf32, #tpu.memory_space<vmem>>
    %dma_wait3A_305 = tpu.memref_squeeze %dma_wait3A_304 : memref<1x48x576xf32, #tpu.memory_space<vmem>> -> memref<48x576xf32, #tpu.memory_space<vmem>>
    %dma_wait3A_306 = arith.constant 0 : i32
    %dma_wait3A_307 = tpu.memref_slice %arg2[%select_n3A_272, %mul3A_290, %dma_wait3A_306] : memref<16x768x576xf32, #tpu.memory_space<hbm>> -> memref<1x48x576xf32, #tpu.memory_space<hbm>>
    %dma_wait3A_308 = tpu.memref_squeeze %dma_wait3A_307 : memref<1x48x576xf32, #tpu.memory_space<hbm>> -> memref<48x576xf32, #tpu.memory_space<hbm>>
    tpu.wait_dma2 semaphore(%dma_wait3A_301 : memref<!tpu.dma_semaphore, #tpu.memory_space<semaphore_mem>>) src(%dma_wait3A_308 : memref<48x576xf32, #tpu.memory_space<hbm>>) dst(%dma_wait3A_305 : memref<48x576xf32, #tpu.memory_space<vmem>>)
    %mul3A_309 = arith.constant 8 : i32
    %mul3A_310 = arith.muli %add3A, %mul3A_309 : i32
    %add3A_311 = arith.constant 2 : i32
    %add3A_312 = arith.addi %mul3A_310, %add3A_311 : i32
    %jit3A_313 = arith.constant 16 : i32
    %div3A_314 = arith.divsi %add3A_312, %jit3A_313 : i32
    %sign3A_315 = arith.constant 0 : i32
    %sign3A_316 = arith.cmpi sgt, %add3A_312, %sign3A_315 : i32
    %sign3A_317 = arith.extui %sign3A_316 : i1 to i32
    %sign3A_318 = arith.constant 0 : i32
    %sign3A_319 = arith.cmpi slt, %add3A_312, %sign3A_318 : i32
    %sign3A_320 = arith.extui %sign3A_319 : i1 to i32
    %sign3A_321 = arith.subi %sign3A_317, %sign3A_320 : i32
    %sign3A_322 = arith.constant 0 : i32
    %sign3A_323 = arith.cmpi sgt, %jit3A_313, %sign3A_322 : i32
    %sign3A_324 = arith.extui %sign3A_323 : i1 to i32
    %sign3A_325 = arith.constant 0 : i32
    %sign3A_326 = arith.cmpi slt, %jit3A_313, %sign3A_325 : i32
    %sign3A_327 = arith.extui %sign3A_326 : i1 to i32
    %sign3A_328 = arith.subi %sign3A_324, %sign3A_327 : i32
    %ne3A_329 = arith.cmpi ne, %sign3A_321, %sign3A_328 : i32
    %rem3A_330 = arith.remsi %add3A_312, %jit3A_313 : i32
    %ne3A_331 = arith.constant 0 : i32
    %ne3A_332 = arith.cmpi ne, %rem3A_330, %ne3A_331 : i32
    %and3A_333 = arith.andi %ne3A_329, %ne3A_332 : i1
    %sub3A_334 = arith.constant 1 : i32
    %sub3A_335 = arith.subi %div3A_314, %sub3A_334 : i32
    %select_n3A_336 = arith.select %and3A_333, %sub3A_335, %div3A_314 : i32
    %jit3A_337 = arith.constant 16 : i32
    %eq3A_338 = arith.constant 0 : i32
    %eq3A_339 = arith.cmpi eq, %jit3A_337, %eq3A_338 : i32
    %jit3A_340 = arith.constant 1 : i32
    %select_n3A_341 = arith.select %eq3A_339, %jit3A_340, %jit3A_337 : i32
    %rem3A_342 = arith.remsi %add3A_312, %select_n3A_341 : i32
    %ne3A_343 = arith.constant 0 : i32
    %ne3A_344 = arith.cmpi ne, %rem3A_342, %ne3A_343 : i32
    %lt3A_345 = arith.constant 0 : i32
    %lt3A_346 = arith.cmpi slt, %rem3A_342, %lt3A_345 : i32
    %lt3A_347 = arith.constant 0 : i32
    %lt3A_348 = arith.cmpi slt, %select_n3A_341, %lt3A_347 : i32
    %ne3A_349 = arith.xori %lt3A_346, %lt3A_348 : i1
    %and3A_350 = arith.andi %ne3A_349, %ne3A_344 : i1
    %add3A_351 = arith.addi %rem3A_342, %select_n3A_341 : i32
    %select_n3A_352 = arith.select %and3A_350, %add3A_351, %rem3A_342 : i32
    %mul3A_353 = arith.constant 48 : i32
    %mul3A_354 = arith.muli %select_n3A_352, %mul3A_353 : i32
    %dma_start3A_355 = arith.constant 0 : i32
    %dma_start3A_356 = arith.constant 0 : i32
    %dma_start3A_357 = arith.constant 0 : i32
    %dma_start3A_358 = arith.constant 0 : i32
    %dma_start3A_359 = tpu.memref_slice %arg4[%dma_start3A_355, %dma_start3A_357, %dma_start3A_358] : memref<2x48x576xf32, #tpu.memory_space<vmem>> -> memref<1x48x576xf32, #tpu.memory_space<vmem>>
    %dma_start3A_360 = tpu.memref_squeeze %dma_start3A_359 : memref<1x48x576xf32, #tpu.memory_space<vmem>> -> memref<48x576xf32, #tpu.memory_space<vmem>>
    %dma_start3A_361 = arith.constant 0 : i32
    %dma_start3A_362 = tpu.memref_slice %arg2[%select_n3A_336, %mul3A_354, %dma_start3A_361] : memref<16x768x576xf32, #tpu.memory_space<hbm>> -> memref<1x48x576xf32, #tpu.memory_space<hbm>>
    %dma_start3A_363 = tpu.memref_squeeze %dma_start3A_362 : memref<1x48x576xf32, #tpu.memory_space<hbm>> -> memref<48x576xf32, #tpu.memory_space<hbm>>
    %dma_start3A_364 = tpu.memref_slice %arg6[%dma_start3A_356] : memref<2x!tpu.dma_semaphore, #tpu.memory_space<semaphore_mem>> -> memref<1x!tpu.dma_semaphore, #tpu.memory_space<semaphore_mem>>
    %dma_start3A_365 = tpu.memref_squeeze %dma_start3A_364 : memref<1x!tpu.dma_semaphore, #tpu.memory_space<semaphore_mem>> -> memref<!tpu.dma_semaphore, #tpu.memory_space<semaphore_mem>>
    %dma_start3A_366 = arith.constant 0 : i32
    %dma_start3A_367 = arith.constant 0 : i32
    %dma_start3A_368 = tpu.memref_slice %arg4[%dma_start3A_355, %dma_start3A_366, %dma_start3A_367] : memref<2x48x576xf32, #tpu.memory_space<vmem>> -> memref<1x48x576xf32, #tpu.memory_space<vmem>>
    %dma_start3A_369 = tpu.memref_squeeze %dma_start3A_368 : memref<1x48x576xf32, #tpu.memory_space<vmem>> -> memref<48x576xf32, #tpu.memory_space<vmem>>
    %dma_start3A_370 = arith.constant 0 : i32
    %dma_start3A_371 = tpu.memref_slice %arg2[%select_n3A_336, %mul3A_354, %dma_start3A_370] : memref<16x768x576xf32, #tpu.memory_space<hbm>> -> memref<1x48x576xf32, #tpu.memory_space<hbm>>
    %dma_start3A_372 = tpu.memref_squeeze %dma_start3A_371 : memref<1x48x576xf32, #tpu.memory_space<hbm>> -> memref<48x576xf32, #tpu.memory_space<hbm>>
    tpu.enqueue_dma source(%dma_start3A_372 : memref<48x576xf32, #tpu.memory_space<hbm>>) target(%dma_start3A_369 : memref<48x576xf32, #tpu.memory_space<vmem>>) target_semaphore(%dma_start3A_365 : memref<!tpu.dma_semaphore, #tpu.memory_space<semaphore_mem>>)
    %mul3A_373 = arith.constant 8 : i32
    %mul3A_374 = arith.muli %add3A, %mul3A_373 : i32
    %add3A_375 = arith.constant 1 : i32
    %add3A_376 = arith.addi %mul3A_374, %add3A_375 : i32
    %jit3A_377 = arith.constant 16 : i32
    %div3A_378 = arith.divsi %add3A_376, %jit3A_377 : i32
    %sign3A_379 = arith.constant 0 : i32
    %sign3A_380 = arith.cmpi sgt, %add3A_376, %sign3A_379 : i32
    %sign3A_381 = arith.extui %sign3A_380 : i1 to i32
    %sign3A_382 = arith.constant 0 : i32
    %sign3A_383 = arith.cmpi slt, %add3A_376, %sign3A_382 : i32
    %sign3A_384 = arith.extui %sign3A_383 : i1 to i32
    %sign3A_385 = arith.subi %sign3A_381, %sign3A_384 : i32
    %sign3A_386 = arith.constant 0 : i32
    %sign3A_387 = arith.cmpi sgt, %jit3A_377, %sign3A_386 : i32
    %sign3A_388 = arith.extui %sign3A_387 : i1 to i32
    %sign3A_389 = arith.constant 0 : i32
    %sign3A_390 = arith.cmpi slt, %jit3A_377, %sign3A_389 : i32
    %sign3A_391 = arith.extui %sign3A_390 : i1 to i32
    %sign3A_392 = arith.subi %sign3A_388, %sign3A_391 : i32
    %ne3A_393 = arith.cmpi ne, %sign3A_385, %sign3A_392 : i32
    %rem3A_394 = arith.remsi %add3A_376, %jit3A_377 : i32
    %ne3A_395 = arith.constant 0 : i32
    %ne3A_396 = arith.cmpi ne, %rem3A_394, %ne3A_395 : i32
    %and3A_397 = arith.andi %ne3A_393, %ne3A_396 : i1
    %sub3A_398 = arith.constant 1 : i32
    %sub3A_399 = arith.subi %div3A_378, %sub3A_398 : i32
    %select_n3A_400 = arith.select %and3A_397, %sub3A_399, %div3A_378 : i32
    %jit3A_401 = arith.constant 16 : i32
    %eq3A_402 = arith.constant 0 : i32
    %eq3A_403 = arith.cmpi eq, %jit3A_401, %eq3A_402 : i32
    %jit3A_404 = arith.constant 1 : i32
    %select_n3A_405 = arith.select %eq3A_403, %jit3A_404, %jit3A_401 : i32
    %rem3A_406 = arith.remsi %add3A_376, %select_n3A_405 : i32
    %ne3A_407 = arith.constant 0 : i32
    %ne3A_408 = arith.cmpi ne, %rem3A_406, %ne3A_407 : i32
    %lt3A_409 = arith.constant 0 : i32
    %lt3A_410 = arith.cmpi slt, %rem3A_406, %lt3A_409 : i32
    %lt3A_411 = arith.constant 0 : i32
    %lt3A_412 = arith.cmpi slt, %select_n3A_405, %lt3A_411 : i32
    %ne3A_413 = arith.xori %lt3A_410, %lt3A_412 : i1
    %and3A_414 = arith.andi %ne3A_413, %ne3A_408 : i1
    %add3A_415 = arith.addi %rem3A_406, %select_n3A_405 : i32
    %select_n3A_416 = arith.select %and3A_414, %add3A_415, %rem3A_406 : i32
    %mul3A_417 = arith.constant 48 : i32
    %mul3A_418 = arith.muli %select_n3A_416, %mul3A_417 : i32
    %dma_start3A_419 = arith.constant 1 : i32
    %dma_start3A_420 = arith.constant 1 : i32
    %dma_start3A_421 = arith.constant 0 : i32
    %dma_start3A_422 = arith.constant 0 : i32
    %dma_start3A_423 = tpu.memref_slice %arg5[%dma_start3A_419, %dma_start3A_421, %dma_start3A_422] : memref<2x576x48xf32, #tpu.memory_space<vmem>> -> memref<1x576x48xf32, #tpu.memory_space<vmem>>
    %dma_start3A_424 = tpu.memref_squeeze %dma_start3A_423 : memref<1x576x48xf32, #tpu.memory_space<vmem>> -> memref<576x48xf32, #tpu.memory_space<vmem>>
    %dma_start3A_425 = arith.constant 0 : i32
    %dma_start3A_426 = tpu.memref_slice %arg3[%select_n3A_400, %dma_start3A_425, %mul3A_418] : memref<16x576x768xf32, #tpu.memory_space<hbm>> -> memref<1x576x48xf32, #tpu.memory_space<hbm>>
    %dma_start3A_427 = tpu.memref_squeeze %dma_start3A_426 : memref<1x576x48xf32, #tpu.memory_space<hbm>> -> memref<576x48xf32, #tpu.memory_space<hbm>>
    %dma_start3A_428 = tpu.memref_slice %arg7[%dma_start3A_420] : memref<2x!tpu.dma_semaphore, #tpu.memory_space<semaphore_mem>> -> memref<1x!tpu.dma_semaphore, #tpu.memory_space<semaphore_mem>>
    %dma_start3A_429 = tpu.memref_squeeze %dma_start3A_428 : memref<1x!tpu.dma_semaphore, #tpu.memory_space<semaphore_mem>> -> memref<!tpu.dma_semaphore, #tpu.memory_space<semaphore_mem>>
    %dma_start3A_430 = arith.constant 0 : i32
    %dma_start3A_431 = tpu.memref_slice %arg3[%select_n3A_400, %dma_start3A_430, %mul3A_418] : memref<16x576x768xf32, #tpu.memory_space<hbm>> -> memref<1x576x48xf32, #tpu.memory_space<hbm>>
    %dma_start3A_432 = tpu.memref_squeeze %dma_start3A_431 : memref<1x576x48xf32, #tpu.memory_space<hbm>> -> memref<576x48xf32, #tpu.memory_space<hbm>>
    %dma_start3A_433 = arith.constant 0 : i32
    %dma_start3A_434 = arith.constant 0 : i32
    %dma_start3A_435 = tpu.memref_slice %arg5[%dma_start3A_419, %dma_start3A_433, %dma_start3A_434] : memref<2x576x48xf32, #tpu.memory_space<vmem>> -> memref<1x576x48xf32, #tpu.memory_space<vmem>>
    %dma_start3A_436 = tpu.memref_squeeze %dma_start3A_435 : memref<1x576x48xf32, #tpu.memory_space<vmem>> -> memref<576x48xf32, #tpu.memory_space<vmem>>
    tpu.enqueue_dma source(%dma_start3A_436 : memref<576x48xf32, #tpu.memory_space<vmem>>) target(%dma_start3A_432 : memref<576x48xf32, #tpu.memory_space<hbm>>) target_semaphore(%dma_start3A_429 : memref<!tpu.dma_semaphore, #tpu.memory_space<semaphore_mem>>)
    %mul3A_437 = arith.constant 8 : i32
    %mul3A_438 = arith.muli %add3A, %mul3A_437 : i32
    %add3A_439 = arith.constant 2 : i32
    %add3A_440 = arith.addi %mul3A_438, %add3A_439 : i32
    %jit3A_441 = arith.constant 16 : i32
    %div3A_442 = arith.divsi %add3A_440, %jit3A_441 : i32
    %sign3A_443 = arith.constant 0 : i32
    %sign3A_444 = arith.cmpi sgt, %add3A_440, %sign3A_443 : i32
    %sign3A_445 = arith.extui %sign3A_444 : i1 to i32
    %sign3A_446 = arith.constant 0 : i32
    %sign3A_447 = arith.cmpi slt, %add3A_440, %sign3A_446 : i32
    %sign3A_448 = arith.extui %sign3A_447 : i1 to i32
    %sign3A_449 = arith.subi %sign3A_445, %sign3A_448 : i32
    %sign3A_450 = arith.constant 0 : i32
    %sign3A_451 = arith.cmpi sgt, %jit3A_441, %sign3A_450 : i32
    %sign3A_452 = arith.extui %sign3A_451 : i1 to i32
    %sign3A_453 = arith.constant 0 : i32
    %sign3A_454 = arith.cmpi slt, %jit3A_441, %sign3A_453 : i32
    %sign3A_455 = arith.extui %sign3A_454 : i1 to i32
    %sign3A_456 = arith.subi %sign3A_452, %sign3A_455 : i32
    %ne3A_457 = arith.cmpi ne, %sign3A_449, %sign3A_456 : i32
    %rem3A_458 = arith.remsi %add3A_440, %jit3A_441 : i32
    %ne3A_459 = arith.constant 0 : i32
    %ne3A_460 = arith.cmpi ne, %rem3A_458, %ne3A_459 : i32
    %and3A_461 = arith.andi %ne3A_457, %ne3A_460 : i1
    %sub3A_462 = arith.constant 1 : i32
    %sub3A_463 = arith.subi %div3A_442, %sub3A_462 : i32
    %select_n3A_464 = arith.select %and3A_461, %sub3A_463, %div3A_442 : i32
    %jit3A_465 = arith.constant 16 : i32
    %eq3A_466 = arith.constant 0 : i32
    %eq3A_467 = arith.cmpi eq, %jit3A_465, %eq3A_466 : i32
    %jit3A_468 = arith.constant 1 : i32
    %select_n3A_469 = arith.select %eq3A_467, %jit3A_468, %jit3A_465 : i32
    %rem3A_470 = arith.remsi %add3A_440, %select_n3A_469 : i32
    %ne3A_471 = arith.constant 0 : i32
    %ne3A_472 = arith.cmpi ne, %rem3A_470, %ne3A_471 : i32
    %lt3A_473 = arith.constant 0 : i32
    %lt3A_474 = arith.cmpi slt, %rem3A_470, %lt3A_473 : i32
    %lt3A_475 = arith.constant 0 : i32
    %lt3A_476 = arith.cmpi slt, %select_n3A_469, %lt3A_475 : i32
    %ne3A_477 = arith.xori %lt3A_474, %lt3A_476 : i1
    %and3A_478 = arith.andi %ne3A_477, %ne3A_472 : i1
    %add3A_479 = arith.addi %rem3A_470, %select_n3A_469 : i32
    %select_n3A_480 = arith.select %and3A_478, %add3A_479, %rem3A_470 : i32
    %mul3A_481 = arith.constant 48 : i32
    %mul3A_482 = arith.muli %select_n3A_480, %mul3A_481 : i32
    %dma_wait3A_483 = arith.constant 0 : i32
    %dma_wait3A_484 = arith.constant 0 : i32
    %dma_wait3A_485 = arith.constant 0 : i32
    %dma_wait3A_486 = arith.constant 0 : i32
    %dma_wait3A_487 = tpu.memref_slice %arg4[%dma_wait3A_483, %dma_wait3A_485, %dma_wait3A_486] : memref<2x48x576xf32, #tpu.memory_space<vmem>> -> memref<1x48x576xf32, #tpu.memory_space<vmem>>
    %dma_wait3A_488 = tpu.memref_squeeze %dma_wait3A_487 : memref<1x48x576xf32, #tpu.memory_space<vmem>> -> memref<48x576xf32, #tpu.memory_space<vmem>>
    %dma_wait3A_489 = arith.constant 0 : i32
    %dma_wait3A_490 = tpu.memref_slice %arg2[%select_n3A_464, %mul3A_482, %dma_wait3A_489] : memref<16x768x576xf32, #tpu.memory_space<hbm>> -> memref<1x48x576xf32, #tpu.memory_space<hbm>>
    %dma_wait3A_491 = tpu.memref_squeeze %dma_wait3A_490 : memref<1x48x576xf32, #tpu.memory_space<hbm>> -> memref<48x576xf32, #tpu.memory_space<hbm>>
    %dma_wait3A_492 = tpu.memref_slice %arg6[%dma_wait3A_484] : memref<2x!tpu.dma_semaphore, #tpu.memory_space<semaphore_mem>> -> memref<1x!tpu.dma_semaphore, #tpu.memory_space<semaphore_mem>>
    %dma_wait3A_493 = tpu.memref_squeeze %dma_wait3A_492 : memref<1x!tpu.dma_semaphore, #tpu.memory_space<semaphore_mem>> -> memref<!tpu.dma_semaphore, #tpu.memory_space<semaphore_mem>>
    %dma_wait3A_494 = arith.constant 0 : i32
    %dma_wait3A_495 = arith.constant 0 : i32
    %dma_wait3A_496 = tpu.memref_slice %arg4[%dma_wait3A_483, %dma_wait3A_494, %dma_wait3A_495] : memref<2x48x576xf32, #tpu.memory_space<vmem>> -> memref<1x48x576xf32, #tpu.memory_space<vmem>>
    %dma_wait3A_497 = tpu.memref_squeeze %dma_wait3A_496 : memref<1x48x576xf32, #tpu.memory_space<vmem>> -> memref<48x576xf32, #tpu.memory_space<vmem>>
    %dma_wait3A_498 = arith.constant 0 : i32
    %dma_wait3A_499 = tpu.memref_slice %arg2[%select_n3A_464, %mul3A_482, %dma_wait3A_498] : memref<16x768x576xf32, #tpu.memory_space<hbm>> -> memref<1x48x576xf32, #tpu.memory_space<hbm>>
    %dma_wait3A_500 = tpu.memref_squeeze %dma_wait3A_499 : memref<1x48x576xf32, #tpu.memory_space<hbm>> -> memref<48x576xf32, #tpu.memory_space<hbm>>
    tpu.wait_dma2 semaphore(%dma_wait3A_493 : memref<!tpu.dma_semaphore, #tpu.memory_space<semaphore_mem>>) src(%dma_wait3A_500 : memref<48x576xf32, #tpu.memory_space<hbm>>) dst(%dma_wait3A_497 : memref<48x576xf32, #tpu.memory_space<vmem>>)
    %mul3A_501 = arith.constant 8 : i32
    %mul3A_502 = arith.muli %add3A, %mul3A_501 : i32
    %add3A_503 = arith.constant 3 : i32
    %add3A_504 = arith.addi %mul3A_502, %add3A_503 : i32
    %jit3A_505 = arith.constant 16 : i32
    %div3A_506 = arith.divsi %add3A_504, %jit3A_505 : i32
    %sign3A_507 = arith.constant 0 : i32
    %sign3A_508 = arith.cmpi sgt, %add3A_504, %sign3A_507 : i32
    %sign3A_509 = arith.extui %sign3A_508 : i1 to i32
    %sign3A_510 = arith.constant 0 : i32
    %sign3A_511 = arith.cmpi slt, %add3A_504, %sign3A_510 : i32
    %sign3A_512 = arith.extui %sign3A_511 : i1 to i32
    %sign3A_513 = arith.subi %sign3A_509, %sign3A_512 : i32
    %sign3A_514 = arith.constant 0 : i32
    %sign3A_515 = arith.cmpi sgt, %jit3A_505, %sign3A_514 : i32
    %sign3A_516 = arith.extui %sign3A_515 : i1 to i32
    %sign3A_517 = arith.constant 0 : i32
    %sign3A_518 = arith.cmpi slt, %jit3A_505, %sign3A_517 : i32
    %sign3A_519 = arith.extui %sign3A_518 : i1 to i32
    %sign3A_520 = arith.subi %sign3A_516, %sign3A_519 : i32
    %ne3A_521 = arith.cmpi ne, %sign3A_513, %sign3A_520 : i32
    %rem3A_522 = arith.remsi %add3A_504, %jit3A_505 : i32
    %ne3A_523 = arith.constant 0 : i32
    %ne3A_524 = arith.cmpi ne, %rem3A_522, %ne3A_523 : i32
    %and3A_525 = arith.andi %ne3A_521, %ne3A_524 : i1
    %sub3A_526 = arith.constant 1 : i32
    %sub3A_527 = arith.subi %div3A_506, %sub3A_526 : i32
    %select_n3A_528 = arith.select %and3A_525, %sub3A_527, %div3A_506 : i32
    %jit3A_529 = arith.constant 16 : i32
    %eq3A_530 = arith.constant 0 : i32
    %eq3A_531 = arith.cmpi eq, %jit3A_529, %eq3A_530 : i32
    %jit3A_532 = arith.constant 1 : i32
    %select_n3A_533 = arith.select %eq3A_531, %jit3A_532, %jit3A_529 : i32
    %rem3A_534 = arith.remsi %add3A_504, %select_n3A_533 : i32
    %ne3A_535 = arith.constant 0 : i32
    %ne3A_536 = arith.cmpi ne, %rem3A_534, %ne3A_535 : i32
    %lt3A_537 = arith.constant 0 : i32
    %lt3A_538 = arith.cmpi slt, %rem3A_534, %lt3A_537 : i32
    %lt3A_539 = arith.constant 0 : i32
    %lt3A_540 = arith.cmpi slt, %select_n3A_533, %lt3A_539 : i32
    %ne3A_541 = arith.xori %lt3A_538, %lt3A_540 : i1
    %and3A_542 = arith.andi %ne3A_541, %ne3A_536 : i1
    %add3A_543 = arith.addi %rem3A_534, %select_n3A_533 : i32
    %select_n3A_544 = arith.select %and3A_542, %add3A_543, %rem3A_534 : i32
    %mul3A_545 = arith.constant 48 : i32
    %mul3A_546 = arith.muli %select_n3A_544, %mul3A_545 : i32
    %dma_start3A_547 = arith.constant 1 : i32
    %dma_start3A_548 = arith.constant 1 : i32
    %dma_start3A_549 = arith.constant 0 : i32
    %dma_start3A_550 = arith.constant 0 : i32
    %dma_start3A_551 = tpu.memref_slice %arg4[%dma_start3A_547, %dma_start3A_549, %dma_start3A_550] : memref<2x48x576xf32, #tpu.memory_space<vmem>> -> memref<1x48x576xf32, #tpu.memory_space<vmem>>
    %dma_start3A_552 = tpu.memref_squeeze %dma_start3A_551 : memref<1x48x576xf32, #tpu.memory_space<vmem>> -> memref<48x576xf32, #tpu.memory_space<vmem>>
    %dma_start3A_553 = arith.constant 0 : i32
    %dma_start3A_554 = tpu.memref_slice %arg2[%select_n3A_528, %mul3A_546, %dma_start3A_553] : memref<16x768x576xf32, #tpu.memory_space<hbm>> -> memref<1x48x576xf32, #tpu.memory_space<hbm>>
    %dma_start3A_555 = tpu.memref_squeeze %dma_start3A_554 : memref<1x48x576xf32, #tpu.memory_space<hbm>> -> memref<48x576xf32, #tpu.memory_space<hbm>>
    %dma_start3A_556 = tpu.memref_slice %arg6[%dma_start3A_548] : memref<2x!tpu.dma_semaphore, #tpu.memory_space<semaphore_mem>> -> memref<1x!tpu.dma_semaphore, #tpu.memory_space<semaphore_mem>>
    %dma_start3A_557 = tpu.memref_squeeze %dma_start3A_556 : memref<1x!tpu.dma_semaphore, #tpu.memory_space<semaphore_mem>> -> memref<!tpu.dma_semaphore, #tpu.memory_space<semaphore_mem>>
    %dma_start3A_558 = arith.constant 0 : i32
    %dma_start3A_559 = arith.constant 0 : i32
    %dma_start3A_560 = tpu.memref_slice %arg4[%dma_start3A_547, %dma_start3A_558, %dma_start3A_559] : memref<2x48x576xf32, #tpu.memory_space<vmem>> -> memref<1x48x576xf32, #tpu.memory_space<vmem>>
    %dma_start3A_561 = tpu.memref_squeeze %dma_start3A_560 : memref<1x48x576xf32, #tpu.memory_space<vmem>> -> memref<48x576xf32, #tpu.memory_space<vmem>>
    %dma_start3A_562 = arith.constant 0 : i32
    %dma_start3A_563 = tpu.memref_slice %arg2[%select_n3A_528, %mul3A_546, %dma_start3A_562] : memref<16x768x576xf32, #tpu.memory_space<hbm>> -> memref<1x48x576xf32, #tpu.memory_space<hbm>>
    %dma_start3A_564 = tpu.memref_squeeze %dma_start3A_563 : memref<1x48x576xf32, #tpu.memory_space<hbm>> -> memref<48x576xf32, #tpu.memory_space<hbm>>
    tpu.enqueue_dma source(%dma_start3A_564 : memref<48x576xf32, #tpu.memory_space<hbm>>) target(%dma_start3A_561 : memref<48x576xf32, #tpu.memory_space<vmem>>) target_semaphore(%dma_start3A_557 : memref<!tpu.dma_semaphore, #tpu.memory_space<semaphore_mem>>)
    %mul3A_565 = arith.constant 8 : i32
    %mul3A_566 = arith.muli %add3A, %mul3A_565 : i32
    %add3A_567 = arith.constant 0 : i32
    %add3A_568 = arith.addi %mul3A_566, %add3A_567 : i32
    %jit3A_569 = arith.constant 16 : i32
    %div3A_570 = arith.divsi %add3A_568, %jit3A_569 : i32
    %sign3A_571 = arith.constant 0 : i32
    %sign3A_572 = arith.cmpi sgt, %add3A_568, %sign3A_571 : i32
    %sign3A_573 = arith.extui %sign3A_572 : i1 to i32
    %sign3A_574 = arith.constant 0 : i32
    %sign3A_575 = arith.cmpi slt, %add3A_568, %sign3A_574 : i32
    %sign3A_576 = arith.extui %sign3A_575 : i1 to i32
    %sign3A_577 = arith.subi %sign3A_573, %sign3A_576 : i32
    %sign3A_578 = arith.constant 0 : i32
    %sign3A_579 = arith.cmpi sgt, %jit3A_569, %sign3A_578 : i32
    %sign3A_580 = arith.extui %sign3A_579 : i1 to i32
    %sign3A_581 = arith.constant 0 : i32
    %sign3A_582 = arith.cmpi slt, %jit3A_569, %sign3A_581 : i32
    %sign3A_583 = arith.extui %sign3A_582 : i1 to i32
    %sign3A_584 = arith.subi %sign3A_580, %sign3A_583 : i32
    %ne3A_585 = arith.cmpi ne, %sign3A_577, %sign3A_584 : i32
    %rem3A_586 = arith.remsi %add3A_568, %jit3A_569 : i32
    %ne3A_587 = arith.constant 0 : i32
    %ne3A_588 = arith.cmpi ne, %rem3A_586, %ne3A_587 : i32
    %and3A_589 = arith.andi %ne3A_585, %ne3A_588 : i1
    %sub3A_590 = arith.constant 1 : i32
    %sub3A_591 = arith.subi %div3A_570, %sub3A_590 : i32
    %select_n3A_592 = arith.select %and3A_589, %sub3A_591, %div3A_570 : i32
    %jit3A_593 = arith.constant 16 : i32
    %eq3A_594 = arith.constant 0 : i32
    %eq3A_595 = arith.cmpi eq, %jit3A_593, %eq3A_594 : i32
    %jit3A_596 = arith.constant 1 : i32
    %select_n3A_597 = arith.select %eq3A_595, %jit3A_596, %jit3A_593 : i32
    %rem3A_598 = arith.remsi %add3A_568, %select_n3A_597 : i32
    %ne3A_599 = arith.constant 0 : i32
    %ne3A_600 = arith.cmpi ne, %rem3A_598, %ne3A_599 : i32
    %lt3A_601 = arith.constant 0 : i32
    %lt3A_602 = arith.cmpi slt, %rem3A_598, %lt3A_601 : i32
    %lt3A_603 = arith.constant 0 : i32
    %lt3A_604 = arith.cmpi slt, %select_n3A_597, %lt3A_603 : i32
    %ne3A_605 = arith.xori %lt3A_602, %lt3A_604 : i1
    %and3A_606 = arith.andi %ne3A_605, %ne3A_600 : i1
    %add3A_607 = arith.addi %rem3A_598, %select_n3A_597 : i32
    %select_n3A_608 = arith.select %and3A_606, %add3A_607, %rem3A_598 : i32
    %mul3A_609 = arith.constant 48 : i32
    %mul3A_610 = arith.muli %select_n3A_608, %mul3A_609 : i32
    %dma_wait3A_611 = arith.constant 0 : i32
    %dma_wait3A_612 = arith.constant 0 : i32
    %dma_wait3A_613 = arith.constant 0 : i32
    %dma_wait3A_614 = arith.constant 0 : i32
    %dma_wait3A_615 = tpu.memref_slice %arg5[%dma_wait3A_611, %dma_wait3A_613, %dma_wait3A_614] : memref<2x576x48xf32, #tpu.memory_space<vmem>> -> memref<1x576x48xf32, #tpu.memory_space<vmem>>
    %dma_wait3A_616 = tpu.memref_squeeze %dma_wait3A_615 : memref<1x576x48xf32, #tpu.memory_space<vmem>> -> memref<576x48xf32, #tpu.memory_space<vmem>>
    %dma_wait3A_617 = arith.constant 0 : i32
    %dma_wait3A_618 = tpu.memref_slice %arg3[%select_n3A_592, %dma_wait3A_617, %mul3A_610] : memref<16x576x768xf32, #tpu.memory_space<hbm>> -> memref<1x576x48xf32, #tpu.memory_space<hbm>>
    %dma_wait3A_619 = tpu.memref_squeeze %dma_wait3A_618 : memref<1x576x48xf32, #tpu.memory_space<hbm>> -> memref<576x48xf32, #tpu.memory_space<hbm>>
    %dma_wait3A_620 = tpu.memref_slice %arg7[%dma_wait3A_612] : memref<2x!tpu.dma_semaphore, #tpu.memory_space<semaphore_mem>> -> memref<1x!tpu.dma_semaphore, #tpu.memory_space<semaphore_mem>>
    %dma_wait3A_621 = tpu.memref_squeeze %dma_wait3A_620 : memref<1x!tpu.dma_semaphore, #tpu.memory_space<semaphore_mem>> -> memref<!tpu.dma_semaphore, #tpu.memory_space<semaphore_mem>>
    %dma_wait3A_622 = arith.constant 0 : i32
    %dma_wait3A_623 = tpu.memref_slice %arg3[%select_n3A_592, %dma_wait3A_622, %mul3A_610] : memref<16x576x768xf32, #tpu.memory_space<hbm>> -> memref<1x576x48xf32, #tpu.memory_space<hbm>>
    %dma_wait3A_624 = tpu.memref_squeeze %dma_wait3A_623 : memref<1x576x48xf32, #tpu.memory_space<hbm>> -> memref<576x48xf32, #tpu.memory_space<hbm>>
    %dma_wait3A_625 = arith.constant 0 : i32
    %dma_wait3A_626 = arith.constant 0 : i32
    %dma_wait3A_627 = tpu.memref_slice %arg5[%dma_wait3A_611, %dma_wait3A_625, %dma_wait3A_626] : memref<2x576x48xf32, #tpu.memory_space<vmem>> -> memref<1x576x48xf32, #tpu.memory_space<vmem>>
    %dma_wait3A_628 = tpu.memref_squeeze %dma_wait3A_627 : memref<1x576x48xf32, #tpu.memory_space<vmem>> -> memref<576x48xf32, #tpu.memory_space<vmem>>
    tpu.wait_dma2 semaphore(%dma_wait3A_621 : memref<!tpu.dma_semaphore, #tpu.memory_space<semaphore_mem>>) src(%dma_wait3A_628 : memref<576x48xf32, #tpu.memory_space<vmem>>) dst(%dma_wait3A_624 : memref<576x48xf32, #tpu.memory_space<hbm>>)
    %mul3A_629 = arith.constant 8 : i32
    %mul3A_630 = arith.muli %add3A, %mul3A_629 : i32
    %add3A_631 = arith.constant 2 : i32
    %add3A_632 = arith.addi %mul3A_630, %add3A_631 : i32
    %jit3A_633 = arith.constant 16 : i32
    %div3A_634 = arith.divsi %add3A_632, %jit3A_633 : i32
    %sign3A_635 = arith.constant 0 : i32
    %sign3A_636 = arith.cmpi sgt, %add3A_632, %sign3A_635 : i32
    %sign3A_637 = arith.extui %sign3A_636 : i1 to i32
    %sign3A_638 = arith.constant 0 : i32
    %sign3A_639 = arith.cmpi slt, %add3A_632, %sign3A_638 : i32
    %sign3A_640 = arith.extui %sign3A_639 : i1 to i32
    %sign3A_641 = arith.subi %sign3A_637, %sign3A_640 : i32
    %sign3A_642 = arith.constant 0 : i32
    %sign3A_643 = arith.cmpi sgt, %jit3A_633, %sign3A_642 : i32
    %sign3A_644 = arith.extui %sign3A_643 : i1 to i32
    %sign3A_645 = arith.constant 0 : i32
    %sign3A_646 = arith.cmpi slt, %jit3A_633, %sign3A_645 : i32
    %sign3A_647 = arith.extui %sign3A_646 : i1 to i32
    %sign3A_648 = arith.subi %sign3A_644, %sign3A_647 : i32
    %ne3A_649 = arith.cmpi ne, %sign3A_641, %sign3A_648 : i32
    %rem3A_650 = arith.remsi %add3A_632, %jit3A_633 : i32
    %ne3A_651 = arith.constant 0 : i32
    %ne3A_652 = arith.cmpi ne, %rem3A_650, %ne3A_651 : i32
    %and3A_653 = arith.andi %ne3A_649, %ne3A_652 : i1
    %sub3A_654 = arith.constant 1 : i32
    %sub3A_655 = arith.subi %div3A_634, %sub3A_654 : i32
    %select_n3A_656 = arith.select %and3A_653, %sub3A_655, %div3A_634 : i32
    %jit3A_657 = arith.constant 16 : i32
    %eq3A_658 = arith.constant 0 : i32
    %eq3A_659 = arith.cmpi eq, %jit3A_657, %eq3A_658 : i32
    %jit3A_660 = arith.constant 1 : i32
    %select_n3A_661 = arith.select %eq3A_659, %jit3A_660, %jit3A_657 : i32
    %rem3A_662 = arith.remsi %add3A_632, %select_n3A_661 : i32
    %ne3A_663 = arith.constant 0 : i32
    %ne3A_664 = arith.cmpi ne, %rem3A_662, %ne3A_663 : i32
    %lt3A_665 = arith.constant 0 : i32
    %lt3A_666 = arith.cmpi slt, %rem3A_662, %lt3A_665 : i32
    %lt3A_667 = arith.constant 0 : i32
    %lt3A_668 = arith.cmpi slt, %select_n3A_661, %lt3A_667 : i32
    %ne3A_669 = arith.xori %lt3A_666, %lt3A_668 : i1
    %and3A_670 = arith.andi %ne3A_669, %ne3A_664 : i1
    %add3A_671 = arith.addi %rem3A_662, %select_n3A_661 : i32
    %select_n3A_672 = arith.select %and3A_670, %add3A_671, %rem3A_662 : i32
    %mul3A_673 = arith.constant 48 : i32
    %mul3A_674 = arith.muli %select_n3A_672, %mul3A_673 : i32
    %dma_start3A_675 = arith.constant 0 : i32
    %dma_start3A_676 = arith.constant 0 : i32
    %dma_start3A_677 = arith.constant 0 : i32
    %dma_start3A_678 = arith.constant 0 : i32
    %dma_start3A_679 = tpu.memref_slice %arg5[%dma_start3A_675, %dma_start3A_677, %dma_start3A_678] : memref<2x576x48xf32, #tpu.memory_space<vmem>> -> memref<1x576x48xf32, #tpu.memory_space<vmem>>
    %dma_start3A_680 = tpu.memref_squeeze %dma_start3A_679 : memref<1x576x48xf32, #tpu.memory_space<vmem>> -> memref<576x48xf32, #tpu.memory_space<vmem>>
    %dma_start3A_681 = arith.constant 0 : i32
    %dma_start3A_682 = tpu.memref_slice %arg3[%select_n3A_656, %dma_start3A_681, %mul3A_674] : memref<16x576x768xf32, #tpu.memory_space<hbm>> -> memref<1x576x48xf32, #tpu.memory_space<hbm>>
    %dma_start3A_683 = tpu.memref_squeeze %dma_start3A_682 : memref<1x576x48xf32, #tpu.memory_space<hbm>> -> memref<576x48xf32, #tpu.memory_space<hbm>>
    %dma_start3A_684 = tpu.memref_slice %arg7[%dma_start3A_676] : memref<2x!tpu.dma_semaphore, #tpu.memory_space<semaphore_mem>> -> memref<1x!tpu.dma_semaphore, #tpu.memory_space<semaphore_mem>>
    %dma_start3A_685 = tpu.memref_squeeze %dma_start3A_684 : memref<1x!tpu.dma_semaphore, #tpu.memory_space<semaphore_mem>> -> memref<!tpu.dma_semaphore, #tpu.memory_space<semaphore_mem>>
    %dma_start3A_686 = arith.constant 0 : i32
    %dma_start3A_687 = tpu.memref_slice %arg3[%select_n3A_656, %dma_start3A_686, %mul3A_674] : memref<16x576x768xf32, #tpu.memory_space<hbm>> -> memref<1x576x48xf32, #tpu.memory_space<hbm>>
    %dma_start3A_688 = tpu.memref_squeeze %dma_start3A_687 : memref<1x576x48xf32, #tpu.memory_space<hbm>> -> memref<576x48xf32, #tpu.memory_space<hbm>>
    %dma_start3A_689 = arith.constant 0 : i32
    %dma_start3A_690 = arith.constant 0 : i32
    %dma_start3A_691 = tpu.memref_slice %arg5[%dma_start3A_675, %dma_start3A_689, %dma_start3A_690] : memref<2x576x48xf32, #tpu.memory_space<vmem>> -> memref<1x576x48xf32, #tpu.memory_space<vmem>>
    %dma_start3A_692 = tpu.memref_squeeze %dma_start3A_691 : memref<1x576x48xf32, #tpu.memory_space<vmem>> -> memref<576x48xf32, #tpu.memory_space<vmem>>
    tpu.enqueue_dma source(%dma_start3A_692 : memref<576x48xf32, #tpu.memory_space<vmem>>) target(%dma_start3A_688 : memref<576x48xf32, #tpu.memory_space<hbm>>) target_semaphore(%dma_start3A_685 : memref<!tpu.dma_semaphore, #tpu.memory_space<semaphore_mem>>)
    %mul3A_693 = arith.constant 8 : i32
    %mul3A_694 = arith.muli %add3A, %mul3A_693 : i32
    %add3A_695 = arith.constant 3 : i32
    %add3A_696 = arith.addi %mul3A_694, %add3A_695 : i32
    %jit3A_697 = arith.constant 16 : i32
    %div3A_698 = arith.divsi %add3A_696, %jit3A_697 : i32
    %sign3A_699 = arith.constant 0 : i32
    %sign3A_700 = arith.cmpi sgt, %add3A_696, %sign3A_699 : i32
    %sign3A_701 = arith.extui %sign3A_700 : i1 to i32
    %sign3A_702 = arith.constant 0 : i32
    %sign3A_703 = arith.cmpi slt, %add3A_696, %sign3A_702 : i32
    %sign3A_704 = arith.extui %sign3A_703 : i1 to i32
    %sign3A_705 = arith.subi %sign3A_701, %sign3A_704 : i32
    %sign3A_706 = arith.constant 0 : i32
    %sign3A_707 = arith.cmpi sgt, %jit3A_697, %sign3A_706 : i32
    %sign3A_708 = arith.extui %sign3A_707 : i1 to i32
    %sign3A_709 = arith.constant 0 : i32
    %sign3A_710 = arith.cmpi slt, %jit3A_697, %sign3A_709 : i32
    %sign3A_711 = arith.extui %sign3A_710 : i1 to i32
    %sign3A_712 = arith.subi %sign3A_708, %sign3A_711 : i32
    %ne3A_713 = arith.cmpi ne, %sign3A_705, %sign3A_712 : i32
    %rem3A_714 = arith.remsi %add3A_696, %jit3A_697 : i32
    %ne3A_715 = arith.constant 0 : i32
    %ne3A_716 = arith.cmpi ne, %rem3A_714, %ne3A_715 : i32
    %and3A_717 = arith.andi %ne3A_713, %ne3A_716 : i1
    %sub3A_718 = arith.constant 1 : i32
    %sub3A_719 = arith.subi %div3A_698, %sub3A_718 : i32
    %select_n3A_720 = arith.select %and3A_717, %sub3A_719, %div3A_698 : i32
    %jit3A_721 = arith.constant 16 : i32
    %eq3A_722 = arith.constant 0 : i32
    %eq3A_723 = arith.cmpi eq, %jit3A_721, %eq3A_722 : i32
    %jit3A_724 = arith.constant 1 : i32
    %select_n3A_725 = arith.select %eq3A_723, %jit3A_724, %jit3A_721 : i32
    %rem3A_726 = arith.remsi %add3A_696, %select_n3A_725 : i32
    %ne3A_727 = arith.constant 0 : i32
    %ne3A_728 = arith.cmpi ne, %rem3A_726, %ne3A_727 : i32
    %lt3A_729 = arith.constant 0 : i32
    %lt3A_730 = arith.cmpi slt, %rem3A_726, %lt3A_729 : i32
    %lt3A_731 = arith.constant 0 : i32
    %lt3A_732 = arith.cmpi slt, %select_n3A_725, %lt3A_731 : i32
    %ne3A_733 = arith.xori %lt3A_730, %lt3A_732 : i1
    %and3A_734 = arith.andi %ne3A_733, %ne3A_728 : i1
    %add3A_735 = arith.addi %rem3A_726, %select_n3A_725 : i32
    %select_n3A_736 = arith.select %and3A_734, %add3A_735, %rem3A_726 : i32
    %mul3A_737 = arith.constant 48 : i32
    %mul3A_738 = arith.muli %select_n3A_736, %mul3A_737 : i32
    %dma_wait3A_739 = arith.constant 1 : i32
    %dma_wait3A_740 = arith.constant 1 : i32
    %dma_wait3A_741 = arith.constant 0 : i32
    %dma_wait3A_742 = arith.constant 0 : i32
    %dma_wait3A_743 = tpu.memref_slice %arg4[%dma_wait3A_739, %dma_wait3A_741, %dma_wait3A_742] : memref<2x48x576xf32, #tpu.memory_space<vmem>> -> memref<1x48x576xf32, #tpu.memory_space<vmem>>
    %dma_wait3A_744 = tpu.memref_squeeze %dma_wait3A_743 : memref<1x48x576xf32, #tpu.memory_space<vmem>> -> memref<48x576xf32, #tpu.memory_space<vmem>>
    %dma_wait3A_745 = arith.constant 0 : i32
    %dma_wait3A_746 = tpu.memref_slice %arg2[%select_n3A_720, %mul3A_738, %dma_wait3A_745] : memref<16x768x576xf32, #tpu.memory_space<hbm>> -> memref<1x48x576xf32, #tpu.memory_space<hbm>>
    %dma_wait3A_747 = tpu.memref_squeeze %dma_wait3A_746 : memref<1x48x576xf32, #tpu.memory_space<hbm>> -> memref<48x576xf32, #tpu.memory_space<hbm>>
    %dma_wait3A_748 = tpu.memref_slice %arg6[%dma_wait3A_740] : memref<2x!tpu.dma_semaphore, #tpu.memory_space<semaphore_mem>> -> memref<1x!tpu.dma_semaphore, #tpu.memory_space<semaphore_mem>>
    %dma_wait3A_749 = tpu.memref_squeeze %dma_wait3A_748 : memref<1x!tpu.dma_semaphore, #tpu.memory_space<semaphore_mem>> -> memref<!tpu.dma_semaphore, #tpu.memory_space<semaphore_mem>>
    %dma_wait3A_750 = arith.constant 0 : i32
    %dma_wait3A_751 = arith.constant 0 : i32
    %dma_wait3A_752 = tpu.memref_slice %arg4[%dma_wait3A_739, %dma_wait3A_750, %dma_wait3A_751] : memref<2x48x576xf32, #tpu.memory_space<vmem>> -> memref<1x48x576xf32, #tpu.memory_space<vmem>>
    %dma_wait3A_753 = tpu.memref_squeeze %dma_wait3A_752 : memref<1x48x576xf32, #tpu.memory_space<vmem>> -> memref<48x576xf32, #tpu.memory_space<vmem>>
    %dma_wait3A_754 = arith.constant 0 : i32
    %dma_wait3A_755 = tpu.memref_slice %arg2[%select_n3A_720, %mul3A_738, %dma_wait3A_754] : memref<16x768x576xf32, #tpu.memory_space<hbm>> -> memref<1x48x576xf32, #tpu.memory_space<hbm>>
    %dma_wait3A_756 = tpu.memref_squeeze %dma_wait3A_755 : memref<1x48x576xf32, #tpu.memory_space<hbm>> -> memref<48x576xf32, #tpu.memory_space<hbm>>
    tpu.wait_dma2 semaphore(%dma_wait3A_749 : memref<!tpu.dma_semaphore, #tpu.memory_space<semaphore_mem>>) src(%dma_wait3A_756 : memref<48x576xf32, #tpu.memory_space<hbm>>) dst(%dma_wait3A_753 : memref<48x576xf32, #tpu.memory_space<vmem>>)
    %mul3A_757 = arith.constant 8 : i32
    %mul3A_758 = arith.muli %add3A, %mul3A_757 : i32
    %add3A_759 = arith.constant 4 : i32
    %add3A_760 = arith.addi %mul3A_758, %add3A_759 : i32
    %jit3A_761 = arith.constant 16 : i32
    %div3A_762 = arith.divsi %add3A_760, %jit3A_761 : i32
    %sign3A_763 = arith.constant 0 : i32
    %sign3A_764 = arith.cmpi sgt, %add3A_760, %sign3A_763 : i32
    %sign3A_765 = arith.extui %sign3A_764 : i1 to i32
    %sign3A_766 = arith.constant 0 : i32
    %sign3A_767 = arith.cmpi slt, %add3A_760, %sign3A_766 : i32
    %sign3A_768 = arith.extui %sign3A_767 : i1 to i32
    %sign3A_769 = arith.subi %sign3A_765, %sign3A_768 : i32
    %sign3A_770 = arith.constant 0 : i32
    %sign3A_771 = arith.cmpi sgt, %jit3A_761, %sign3A_770 : i32
    %sign3A_772 = arith.extui %sign3A_771 : i1 to i32
    %sign3A_773 = arith.constant 0 : i32
    %sign3A_774 = arith.cmpi slt, %jit3A_761, %sign3A_773 : i32
    %sign3A_775 = arith.extui %sign3A_774 : i1 to i32
    %sign3A_776 = arith.subi %sign3A_772, %sign3A_775 : i32
    %ne3A_777 = arith.cmpi ne, %sign3A_769, %sign3A_776 : i32
    %rem3A_778 = arith.remsi %add3A_760, %jit3A_761 : i32
    %ne3A_779 = arith.constant 0 : i32
    %ne3A_780 = arith.cmpi ne, %rem3A_778, %ne3A_779 : i32
    %and3A_781 = arith.andi %ne3A_777, %ne3A_780 : i1
    %sub3A_782 = arith.constant 1 : i32
    %sub3A_783 = arith.subi %div3A_762, %sub3A_782 : i32
    %select_n3A_784 = arith.select %and3A_781, %sub3A_783, %div3A_762 : i32
    %jit3A_785 = arith.constant 16 : i32
    %eq3A_786 = arith.constant 0 : i32
    %eq3A_787 = arith.cmpi eq, %jit3A_785, %eq3A_786 : i32
    %jit3A_788 = arith.constant 1 : i32
    %select_n3A_789 = arith.select %eq3A_787, %jit3A_788, %jit3A_785 : i32
    %rem3A_790 = arith.remsi %add3A_760, %select_n3A_789 : i32
    %ne3A_791 = arith.constant 0 : i32
    %ne3A_792 = arith.cmpi ne, %rem3A_790, %ne3A_791 : i32
    %lt3A_793 = arith.constant 0 : i32
    %lt3A_794 = arith.cmpi slt, %rem3A_790, %lt3A_793 : i32
    %lt3A_795 = arith.constant 0 : i32
    %lt3A_796 = arith.cmpi slt, %select_n3A_789, %lt3A_795 : i32
    %ne3A_797 = arith.xori %lt3A_794, %lt3A_796 : i1
    %and3A_798 = arith.andi %ne3A_797, %ne3A_792 : i1
    %add3A_799 = arith.addi %rem3A_790, %select_n3A_789 : i32
    %select_n3A_800 = arith.select %and3A_798, %add3A_799, %rem3A_790 : i32
    %mul3A_801 = arith.constant 48 : i32
    %mul3A_802 = arith.muli %select_n3A_800, %mul3A_801 : i32
    %dma_start3A_803 = arith.constant 0 : i32
    %dma_start3A_804 = arith.constant 0 : i32
    %dma_start3A_805 = arith.constant 0 : i32
    %dma_start3A_806 = arith.constant 0 : i32
    %dma_start3A_807 = tpu.memref_slice %arg4[%dma_start3A_803, %dma_start3A_805, %dma_start3A_806] : memref<2x48x576xf32, #tpu.memory_space<vmem>> -> memref<1x48x576xf32, #tpu.memory_space<vmem>>
    %dma_start3A_808 = tpu.memref_squeeze %dma_start3A_807 : memref<1x48x576xf32, #tpu.memory_space<vmem>> -> memref<48x576xf32, #tpu.memory_space<vmem>>
    %dma_start3A_809 = arith.constant 0 : i32
    %dma_start3A_810 = tpu.memref_slice %arg2[%select_n3A_784, %mul3A_802, %dma_start3A_809] : memref<16x768x576xf32, #tpu.memory_space<hbm>> -> memref<1x48x576xf32, #tpu.memory_space<hbm>>
    %dma_start3A_811 = tpu.memref_squeeze %dma_start3A_810 : memref<1x48x576xf32, #tpu.memory_space<hbm>> -> memref<48x576xf32, #tpu.memory_space<hbm>>
    %dma_start3A_812 = tpu.memref_slice %arg6[%dma_start3A_804] : memref<2x!tpu.dma_semaphore, #tpu.memory_space<semaphore_mem>> -> memref<1x!tpu.dma_semaphore, #tpu.memory_space<semaphore_mem>>
    %dma_start3A_813 = tpu.memref_squeeze %dma_start3A_812 : memref<1x!tpu.dma_semaphore, #tpu.memory_space<semaphore_mem>> -> memref<!tpu.dma_semaphore, #tpu.memory_space<semaphore_mem>>
    %dma_start3A_814 = arith.constant 0 : i32
    %dma_start3A_815 = arith.constant 0 : i32
    %dma_start3A_816 = tpu.memref_slice %arg4[%dma_start3A_803, %dma_start3A_814, %dma_start3A_815] : memref<2x48x576xf32, #tpu.memory_space<vmem>> -> memref<1x48x576xf32, #tpu.memory_space<vmem>>
    %dma_start3A_817 = tpu.memref_squeeze %dma_start3A_816 : memref<1x48x576xf32, #tpu.memory_space<vmem>> -> memref<48x576xf32, #tpu.memory_space<vmem>>
    %dma_start3A_818 = arith.constant 0 : i32
    %dma_start3A_819 = tpu.memref_slice %arg2[%select_n3A_784, %mul3A_802, %dma_start3A_818] : memref<16x768x576xf32, #tpu.memory_space<hbm>> -> memref<1x48x576xf32, #tpu.memory_space<hbm>>
    %dma_start3A_820 = tpu.memref_squeeze %dma_start3A_819 : memref<1x48x576xf32, #tpu.memory_space<hbm>> -> memref<48x576xf32, #tpu.memory_space<hbm>>
    tpu.enqueue_dma source(%dma_start3A_820 : memref<48x576xf32, #tpu.memory_space<hbm>>) target(%dma_start3A_817 : memref<48x576xf32, #tpu.memory_space<vmem>>) target_semaphore(%dma_start3A_813 : memref<!tpu.dma_semaphore, #tpu.memory_space<semaphore_mem>>)
    %mul3A_821 = arith.constant 8 : i32
    %mul3A_822 = arith.muli %add3A, %mul3A_821 : i32
    %add3A_823 = arith.constant 1 : i32
    %add3A_824 = arith.addi %mul3A_822, %add3A_823 : i32
    %jit3A_825 = arith.constant 16 : i32
    %div3A_826 = arith.divsi %add3A_824, %jit3A_825 : i32
    %sign3A_827 = arith.constant 0 : i32
    %sign3A_828 = arith.cmpi sgt, %add3A_824, %sign3A_827 : i32
    %sign3A_829 = arith.extui %sign3A_828 : i1 to i32
    %sign3A_830 = arith.constant 0 : i32
    %sign3A_831 = arith.cmpi slt, %add3A_824, %sign3A_830 : i32
    %sign3A_832 = arith.extui %sign3A_831 : i1 to i32
    %sign3A_833 = arith.subi %sign3A_829, %sign3A_832 : i32
    %sign3A_834 = arith.constant 0 : i32
    %sign3A_835 = arith.cmpi sgt, %jit3A_825, %sign3A_834 : i32
    %sign3A_836 = arith.extui %sign3A_835 : i1 to i32
    %sign3A_837 = arith.constant 0 : i32
    %sign3A_838 = arith.cmpi slt, %jit3A_825, %sign3A_837 : i32
    %sign3A_839 = arith.extui %sign3A_838 : i1 to i32
    %sign3A_840 = arith.subi %sign3A_836, %sign3A_839 : i32
    %ne3A_841 = arith.cmpi ne, %sign3A_833, %sign3A_840 : i32
    %rem3A_842 = arith.remsi %add3A_824, %jit3A_825 : i32
    %ne3A_843 = arith.constant 0 : i32
    %ne3A_844 = arith.cmpi ne, %rem3A_842, %ne3A_843 : i32
    %and3A_845 = arith.andi %ne3A_841, %ne3A_844 : i1
    %sub3A_846 = arith.constant 1 : i32
    %sub3A_847 = arith.subi %div3A_826, %sub3A_846 : i32
    %select_n3A_848 = arith.select %and3A_845, %sub3A_847, %div3A_826 : i32
    %jit3A_849 = arith.constant 16 : i32
    %eq3A_850 = arith.constant 0 : i32
    %eq3A_851 = arith.cmpi eq, %jit3A_849, %eq3A_850 : i32
    %jit3A_852 = arith.constant 1 : i32
    %select_n3A_853 = arith.select %eq3A_851, %jit3A_852, %jit3A_849 : i32
    %rem3A_854 = arith.remsi %add3A_824, %select_n3A_853 : i32
    %ne3A_855 = arith.constant 0 : i32
    %ne3A_856 = arith.cmpi ne, %rem3A_854, %ne3A_855 : i32
    %lt3A_857 = arith.constant 0 : i32
    %lt3A_858 = arith.cmpi slt, %rem3A_854, %lt3A_857 : i32
    %lt3A_859 = arith.constant 0 : i32
    %lt3A_860 = arith.cmpi slt, %select_n3A_853, %lt3A_859 : i32
    %ne3A_861 = arith.xori %lt3A_858, %lt3A_860 : i1
    %and3A_862 = arith.andi %ne3A_861, %ne3A_856 : i1
    %add3A_863 = arith.addi %rem3A_854, %select_n3A_853 : i32
    %select_n3A_864 = arith.select %and3A_862, %add3A_863, %rem3A_854 : i32
    %mul3A_865 = arith.constant 48 : i32
    %mul3A_866 = arith.muli %select_n3A_864, %mul3A_865 : i32
    %dma_wait3A_867 = arith.constant 1 : i32
    %dma_wait3A_868 = arith.constant 1 : i32
    %dma_wait3A_869 = arith.constant 0 : i32
    %dma_wait3A_870 = arith.constant 0 : i32
    %dma_wait3A_871 = tpu.memref_slice %arg5[%dma_wait3A_867, %dma_wait3A_869, %dma_wait3A_870] : memref<2x576x48xf32, #tpu.memory_space<vmem>> -> memref<1x576x48xf32, #tpu.memory_space<vmem>>
    %dma_wait3A_872 = tpu.memref_squeeze %dma_wait3A_871 : memref<1x576x48xf32, #tpu.memory_space<vmem>> -> memref<576x48xf32, #tpu.memory_space<vmem>>
    %dma_wait3A_873 = arith.constant 0 : i32
    %dma_wait3A_874 = tpu.memref_slice %arg3[%select_n3A_848, %dma_wait3A_873, %mul3A_866] : memref<16x576x768xf32, #tpu.memory_space<hbm>> -> memref<1x576x48xf32, #tpu.memory_space<hbm>>
    %dma_wait3A_875 = tpu.memref_squeeze %dma_wait3A_874 : memref<1x576x48xf32, #tpu.memory_space<hbm>> -> memref<576x48xf32, #tpu.memory_space<hbm>>
    %dma_wait3A_876 = tpu.memref_slice %arg7[%dma_wait3A_868] : memref<2x!tpu.dma_semaphore, #tpu.memory_space<semaphore_mem>> -> memref<1x!tpu.dma_semaphore, #tpu.memory_space<semaphore_mem>>
    %dma_wait3A_877 = tpu.memref_squeeze %dma_wait3A_876 : memref<1x!tpu.dma_semaphore, #tpu.memory_space<semaphore_mem>> -> memref<!tpu.dma_semaphore, #tpu.memory_space<semaphore_mem>>
    %dma_wait3A_878 = arith.constant 0 : i32
    %dma_wait3A_879 = tpu.memref_slice %arg3[%select_n3A_848, %dma_wait3A_878, %mul3A_866] : memref<16x576x768xf32, #tpu.memory_space<hbm>> -> memref<1x576x48xf32, #tpu.memory_space<hbm>>
    %dma_wait3A_880 = tpu.memref_squeeze %dma_wait3A_879 : memref<1x576x48xf32, #tpu.memory_space<hbm>> -> memref<576x48xf32, #tpu.memory_space<hbm>>
    %dma_wait3A_881 = arith.constant 0 : i32
    %dma_wait3A_882 = arith.constant 0 : i32
    %dma_wait3A_883 = tpu.memref_slice %arg5[%dma_wait3A_867, %dma_wait3A_881, %dma_wait3A_882] : memref<2x576x48xf32, #tpu.memory_space<vmem>> -> memref<1x576x48xf32, #tpu.memory_space<vmem>>
    %dma_wait3A_884 = tpu.memref_squeeze %dma_wait3A_883 : memref<1x576x48xf32, #tpu.memory_space<vmem>> -> memref<576x48xf32, #tpu.memory_space<vmem>>
    tpu.wait_dma2 semaphore(%dma_wait3A_877 : memref<!tpu.dma_semaphore, #tpu.memory_space<semaphore_mem>>) src(%dma_wait3A_884 : memref<576x48xf32, #tpu.memory_space<vmem>>) dst(%dma_wait3A_880 : memref<576x48xf32, #tpu.memory_space<hbm>>)
    %mul3A_885 = arith.constant 8 : i32
    %mul3A_886 = arith.muli %add3A, %mul3A_885 : i32
    %add3A_887 = arith.constant 3 : i32
    %add3A_888 = arith.addi %mul3A_886, %add3A_887 : i32
    %jit3A_889 = arith.constant 16 : i32
    %div3A_890 = arith.divsi %add3A_888, %jit3A_889 : i32
    %sign3A_891 = arith.constant 0 : i32
    %sign3A_892 = arith.cmpi sgt, %add3A_888, %sign3A_891 : i32
    %sign3A_893 = arith.extui %sign3A_892 : i1 to i32
    %sign3A_894 = arith.constant 0 : i32
    %sign3A_895 = arith.cmpi slt, %add3A_888, %sign3A_894 : i32
    %sign3A_896 = arith.extui %sign3A_895 : i1 to i32
    %sign3A_897 = arith.subi %sign3A_893, %sign3A_896 : i32
    %sign3A_898 = arith.constant 0 : i32
    %sign3A_899 = arith.cmpi sgt, %jit3A_889, %sign3A_898 : i32
    %sign3A_900 = arith.extui %sign3A_899 : i1 to i32
    %sign3A_901 = arith.constant 0 : i32
    %sign3A_902 = arith.cmpi slt, %jit3A_889, %sign3A_901 : i32
    %sign3A_903 = arith.extui %sign3A_902 : i1 to i32
    %sign3A_904 = arith.subi %sign3A_900, %sign3A_903 : i32
    %ne3A_905 = arith.cmpi ne, %sign3A_897, %sign3A_904 : i32
    %rem3A_906 = arith.remsi %add3A_888, %jit3A_889 : i32
    %ne3A_907 = arith.constant 0 : i32
    %ne3A_908 = arith.cmpi ne, %rem3A_906, %ne3A_907 : i32
    %and3A_909 = arith.andi %ne3A_905, %ne3A_908 : i1
    %sub3A_910 = arith.constant 1 : i32
    %sub3A_911 = arith.subi %div3A_890, %sub3A_910 : i32
    %select_n3A_912 = arith.select %and3A_909, %sub3A_911, %div3A_890 : i32
    %jit3A_913 = arith.constant 16 : i32
    %eq3A_914 = arith.constant 0 : i32
    %eq3A_915 = arith.cmpi eq, %jit3A_913, %eq3A_914 : i32
    %jit3A_916 = arith.constant 1 : i32
    %select_n3A_917 = arith.select %eq3A_915, %jit3A_916, %jit3A_913 : i32
    %rem3A_918 = arith.remsi %add3A_888, %select_n3A_917 : i32
    %ne3A_919 = arith.constant 0 : i32
    %ne3A_920 = arith.cmpi ne, %rem3A_918, %ne3A_919 : i32
    %lt3A_921 = arith.constant 0 : i32
    %lt3A_922 = arith.cmpi slt, %rem3A_918, %lt3A_921 : i32
    %lt3A_923 = arith.constant 0 : i32
    %lt3A_924 = arith.cmpi slt, %select_n3A_917, %lt3A_923 : i32
    %ne3A_925 = arith.xori %lt3A_922, %lt3A_924 : i1
    %and3A_926 = arith.andi %ne3A_925, %ne3A_920 : i1
    %add3A_927 = arith.addi %rem3A_918, %select_n3A_917 : i32
    %select_n3A_928 = arith.select %and3A_926, %add3A_927, %rem3A_918 : i32
    %mul3A_929 = arith.constant 48 : i32
    %mul3A_930 = arith.muli %select_n3A_928, %mul3A_929 : i32
    %dma_start3A_931 = arith.constant 1 : i32
    %dma_start3A_932 = arith.constant 1 : i32
    %dma_start3A_933 = arith.constant 0 : i32
    %dma_start3A_934 = arith.constant 0 : i32
    %dma_start3A_935 = tpu.memref_slice %arg5[%dma_start3A_931, %dma_start3A_933, %dma_start3A_934] : memref<2x576x48xf32, #tpu.memory_space<vmem>> -> memref<1x576x48xf32, #tpu.memory_space<vmem>>
    %dma_start3A_936 = tpu.memref_squeeze %dma_start3A_935 : memref<1x576x48xf32, #tpu.memory_space<vmem>> -> memref<576x48xf32, #tpu.memory_space<vmem>>
    %dma_start3A_937 = arith.constant 0 : i32
    %dma_start3A_938 = tpu.memref_slice %arg3[%select_n3A_912, %dma_start3A_937, %mul3A_930] : memref<16x576x768xf32, #tpu.memory_space<hbm>> -> memref<1x576x48xf32, #tpu.memory_space<hbm>>
    %dma_start3A_939 = tpu.memref_squeeze %dma_start3A_938 : memref<1x576x48xf32, #tpu.memory_space<hbm>> -> memref<576x48xf32, #tpu.memory_space<hbm>>
    %dma_start3A_940 = tpu.memref_slice %arg7[%dma_start3A_932] : memref<2x!tpu.dma_semaphore, #tpu.memory_space<semaphore_mem>> -> memref<1x!tpu.dma_semaphore, #tpu.memory_space<semaphore_mem>>
    %dma_start3A_941 = tpu.memref_squeeze %dma_start3A_940 : memref<1x!tpu.dma_semaphore, #tpu.memory_space<semaphore_mem>> -> memref<!tpu.dma_semaphore, #tpu.memory_space<semaphore_mem>>
    %dma_start3A_942 = arith.constant 0 : i32
    %dma_start3A_943 = tpu.memref_slice %arg3[%select_n3A_912, %dma_start3A_942, %mul3A_930] : memref<16x576x768xf32, #tpu.memory_space<hbm>> -> memref<1x576x48xf32, #tpu.memory_space<hbm>>
    %dma_start3A_944 = tpu.memref_squeeze %dma_start3A_943 : memref<1x576x48xf32, #tpu.memory_space<hbm>> -> memref<576x48xf32, #tpu.memory_space<hbm>>
    %dma_start3A_945 = arith.constant 0 : i32
    %dma_start3A_946 = arith.constant 0 : i32
    %dma_start3A_947 = tpu.memref_slice %arg5[%dma_start3A_931, %dma_start3A_945, %dma_start3A_946] : memref<2x576x48xf32, #tpu.memory_space<vmem>> -> memref<1x576x48xf32, #tpu.memory_space<vmem>>
    %dma_start3A_948 = tpu.memref_squeeze %dma_start3A_947 : memref<1x576x48xf32, #tpu.memory_space<vmem>> -> memref<576x48xf32, #tpu.memory_space<vmem>>
    tpu.enqueue_dma source(%dma_start3A_948 : memref<576x48xf32, #tpu.memory_space<vmem>>) target(%dma_start3A_944 : memref<576x48xf32, #tpu.memory_space<hbm>>) target_semaphore(%dma_start3A_941 : memref<!tpu.dma_semaphore, #tpu.memory_space<semaphore_mem>>)
    %mul3A_949 = arith.constant 8 : i32
    %mul3A_950 = arith.muli %add3A, %mul3A_949 : i32
    %add3A_951 = arith.constant 4 : i32
    %add3A_952 = arith.addi %mul3A_950, %add3A_951 : i32
    %jit3A_953 = arith.constant 16 : i32
    %div3A_954 = arith.divsi %add3A_952, %jit3A_953 : i32
    %sign3A_955 = arith.constant 0 : i32
    %sign3A_956 = arith.cmpi sgt, %add3A_952, %sign3A_955 : i32
    %sign3A_957 = arith.extui %sign3A_956 : i1 to i32
    %sign3A_958 = arith.constant 0 : i32
    %sign3A_959 = arith.cmpi slt, %add3A_952, %sign3A_958 : i32
    %sign3A_960 = arith.extui %sign3A_959 : i1 to i32
    %sign3A_961 = arith.subi %sign3A_957, %sign3A_960 : i32
    %sign3A_962 = arith.constant 0 : i32
    %sign3A_963 = arith.cmpi sgt, %jit3A_953, %sign3A_962 : i32
    %sign3A_964 = arith.extui %sign3A_963 : i1 to i32
    %sign3A_965 = arith.constant 0 : i32
    %sign3A_966 = arith.cmpi slt, %jit3A_953, %sign3A_965 : i32
    %sign3A_967 = arith.extui %sign3A_966 : i1 to i32
    %sign3A_968 = arith.subi %sign3A_964, %sign3A_967 : i32
    %ne3A_969 = arith.cmpi ne, %sign3A_961, %sign3A_968 : i32
    %rem3A_970 = arith.remsi %add3A_952, %jit3A_953 : i32
    %ne3A_971 = arith.constant 0 : i32
    %ne3A_972 = arith.cmpi ne, %rem3A_970, %ne3A_971 : i32
    %and3A_973 = arith.andi %ne3A_969, %ne3A_972 : i1
    %sub3A_974 = arith.constant 1 : i32
    %sub3A_975 = arith.subi %div3A_954, %sub3A_974 : i32
    %select_n3A_976 = arith.select %and3A_973, %sub3A_975, %div3A_954 : i32
    %jit3A_977 = arith.constant 16 : i32
    %eq3A_978 = arith.constant 0 : i32
    %eq3A_979 = arith.cmpi eq, %jit3A_977, %eq3A_978 : i32
    %jit3A_980 = arith.constant 1 : i32
    %select_n3A_981 = arith.select %eq3A_979, %jit3A_980, %jit3A_977 : i32
    %rem3A_982 = arith.remsi %add3A_952, %select_n3A_981 : i32
    %ne3A_983 = arith.constant 0 : i32
    %ne3A_984 = arith.cmpi ne, %rem3A_982, %ne3A_983 : i32
    %lt3A_985 = arith.constant 0 : i32
    %lt3A_986 = arith.cmpi slt, %rem3A_982, %lt3A_985 : i32
    %lt3A_987 = arith.constant 0 : i32
    %lt3A_988 = arith.cmpi slt, %select_n3A_981, %lt3A_987 : i32
    %ne3A_989 = arith.xori %lt3A_986, %lt3A_988 : i1
    %and3A_990 = arith.andi %ne3A_989, %ne3A_984 : i1
    %add3A_991 = arith.addi %rem3A_982, %select_n3A_981 : i32
    %select_n3A_992 = arith.select %and3A_990, %add3A_991, %rem3A_982 : i32
    %mul3A_993 = arith.constant 48 : i32
    %mul3A_994 = arith.muli %select_n3A_992, %mul3A_993 : i32
    %dma_wait3A_995 = arith.constant 0 : i32
    %dma_wait3A_996 = arith.constant 0 : i32
    %dma_wait3A_997 = arith.constant 0 : i32
    %dma_wait3A_998 = arith.constant 0 : i32
    %dma_wait3A_999 = tpu.memref_slice %arg4[%dma_wait3A_995, %dma_wait3A_997, %dma_wait3A_998] : memref<2x48x576xf32, #tpu.memory_space<vmem>> -> memref<1x48x576xf32, #tpu.memory_space<vmem>>
    %dma_wait3A_1000 = tpu.memref_squeeze %dma_wait3A_999 : memref<1x48x576xf32, #tpu.memory_space<vmem>> -> memref<48x576xf32, #tpu.memory_space<vmem>>
    %dma_wait3A_1001 = arith.constant 0 : i32
    %dma_wait3A_1002 = tpu.memref_slice %arg2[%select_n3A_976, %mul3A_994, %dma_wait3A_1001] : memref<16x768x576xf32, #tpu.memory_space<hbm>> -> memref<1x48x576xf32, #tpu.memory_space<hbm>>
    %dma_wait3A_1003 = tpu.memref_squeeze %dma_wait3A_1002 : memref<1x48x576xf32, #tpu.memory_space<hbm>> -> memref<48x576xf32, #tpu.memory_space<hbm>>
    %dma_wait3A_1004 = tpu.memref_slice %arg6[%dma_wait3A_996] : memref<2x!tpu.dma_semaphore, #tpu.memory_space<semaphore_mem>> -> memref<1x!tpu.dma_semaphore, #tpu.memory_space<semaphore_mem>>
    %dma_wait3A_1005 = tpu.memref_squeeze %dma_wait3A_1004 : memref<1x!tpu.dma_semaphore, #tpu.memory_space<semaphore_mem>> -> memref<!tpu.dma_semaphore, #tpu.memory_space<semaphore_mem>>
    %dma_wait3A_1006 = arith.constant 0 : i32
    %dma_wait3A_1007 = arith.constant 0 : i32
    %dma_wait3A_1008 = tpu.memref_slice %arg4[%dma_wait3A_995, %dma_wait3A_1006, %dma_wait3A_1007] : memref<2x48x576xf32, #tpu.memory_space<vmem>> -> memref<1x48x576xf32, #tpu.memory_space<vmem>>
    %dma_wait3A_1009 = tpu.memref_squeeze %dma_wait3A_1008 : memref<1x48x576xf32, #tpu.memory_space<vmem>> -> memref<48x576xf32, #tpu.memory_space<vmem>>
    %dma_wait3A_1010 = arith.constant 0 : i32
    %dma_wait3A_1011 = tpu.memref_slice %arg2[%select_n3A_976, %mul3A_994, %dma_wait3A_1010] : memref<16x768x576xf32, #tpu.memory_space<hbm>> -> memref<1x48x576xf32, #tpu.memory_space<hbm>>
    %dma_wait3A_1012 = tpu.memref_squeeze %dma_wait3A_1011 : memref<1x48x576xf32, #tpu.memory_space<hbm>> -> memref<48x576xf32, #tpu.memory_space<hbm>>
    tpu.wait_dma2 semaphore(%dma_wait3A_1005 : memref<!tpu.dma_semaphore, #tpu.memory_space<semaphore_mem>>) src(%dma_wait3A_1012 : memref<48x576xf32, #tpu.memory_space<hbm>>) dst(%dma_wait3A_1009 : memref<48x576xf32, #tpu.memory_space<vmem>>)
    %mul3A_1013 = arith.constant 8 : i32
    %mul3A_1014 = arith.muli %add3A, %mul3A_1013 : i32
    %add3A_1015 = arith.constant 5 : i32
    %add3A_1016 = arith.addi %mul3A_1014, %add3A_1015 : i32
    %jit3A_1017 = arith.constant 16 : i32
    %div3A_1018 = arith.divsi %add3A_1016, %jit3A_1017 : i32
    %sign3A_1019 = arith.constant 0 : i32
    %sign3A_1020 = arith.cmpi sgt, %add3A_1016, %sign3A_1019 : i32
    %sign3A_1021 = arith.extui %sign3A_1020 : i1 to i32
    %sign3A_1022 = arith.constant 0 : i32
    %sign3A_1023 = arith.cmpi slt, %add3A_1016, %sign3A_1022 : i32
    %sign3A_1024 = arith.extui %sign3A_1023 : i1 to i32
    %sign3A_1025 = arith.subi %sign3A_1021, %sign3A_1024 : i32
    %sign3A_1026 = arith.constant 0 : i32
    %sign3A_1027 = arith.cmpi sgt, %jit3A_1017, %sign3A_1026 : i32
    %sign3A_1028 = arith.extui %sign3A_1027 : i1 to i32
    %sign3A_1029 = arith.constant 0 : i32
    %sign3A_1030 = arith.cmpi slt, %jit3A_1017, %sign3A_1029 : i32
    %sign3A_1031 = arith.extui %sign3A_1030 : i1 to i32
    %sign3A_1032 = arith.subi %sign3A_1028, %sign3A_1031 : i32
    %ne3A_1033 = arith.cmpi ne, %sign3A_1025, %sign3A_1032 : i32
    %rem3A_1034 = arith.remsi %add3A_1016, %jit3A_1017 : i32
    %ne3A_1035 = arith.constant 0 : i32
    %ne3A_1036 = arith.cmpi ne, %rem3A_1034, %ne3A_1035 : i32
    %and3A_1037 = arith.andi %ne3A_1033, %ne3A_1036 : i1
    %sub3A_1038 = arith.constant 1 : i32
    %sub3A_1039 = arith.subi %div3A_1018, %sub3A_1038 : i32
    %select_n3A_1040 = arith.select %and3A_1037, %sub3A_1039, %div3A_1018 : i32
    %jit3A_1041 = arith.constant 16 : i32
    %eq3A_1042 = arith.constant 0 : i32
    %eq3A_1043 = arith.cmpi eq, %jit3A_1041, %eq3A_1042 : i32
    %jit3A_1044 = arith.constant 1 : i32
    %select_n3A_1045 = arith.select %eq3A_1043, %jit3A_1044, %jit3A_1041 : i32
    %rem3A_1046 = arith.remsi %add3A_1016, %select_n3A_1045 : i32
    %ne3A_1047 = arith.constant 0 : i32
    %ne3A_1048 = arith.cmpi ne, %rem3A_1046, %ne3A_1047 : i32
    %lt3A_1049 = arith.constant 0 : i32
    %lt3A_1050 = arith.cmpi slt, %rem3A_1046, %lt3A_1049 : i32
    %lt3A_1051 = arith.constant 0 : i32
    %lt3A_1052 = arith.cmpi slt, %select_n3A_1045, %lt3A_1051 : i32
    %ne3A_1053 = arith.xori %lt3A_1050, %lt3A_1052 : i1
    %and3A_1054 = arith.andi %ne3A_1053, %ne3A_1048 : i1
    %add3A_1055 = arith.addi %rem3A_1046, %select_n3A_1045 : i32
    %select_n3A_1056 = arith.select %and3A_1054, %add3A_1055, %rem3A_1046 : i32
    %mul3A_1057 = arith.constant 48 : i32
    %mul3A_1058 = arith.muli %select_n3A_1056, %mul3A_1057 : i32
    %dma_start3A_1059 = arith.constant 1 : i32
    %dma_start3A_1060 = arith.constant 1 : i32
    %dma_start3A_1061 = arith.constant 0 : i32
    %dma_start3A_1062 = arith.constant 0 : i32
    %dma_start3A_1063 = tpu.memref_slice %arg4[%dma_start3A_1059, %dma_start3A_1061, %dma_start3A_1062] : memref<2x48x576xf32, #tpu.memory_space<vmem>> -> memref<1x48x576xf32, #tpu.memory_space<vmem>>
    %dma_start3A_1064 = tpu.memref_squeeze %dma_start3A_1063 : memref<1x48x576xf32, #tpu.memory_space<vmem>> -> memref<48x576xf32, #tpu.memory_space<vmem>>
    %dma_start3A_1065 = arith.constant 0 : i32
    %dma_start3A_1066 = tpu.memref_slice %arg2[%select_n3A_1040, %mul3A_1058, %dma_start3A_1065] : memref<16x768x576xf32, #tpu.memory_space<hbm>> -> memref<1x48x576xf32, #tpu.memory_space<hbm>>
    %dma_start3A_1067 = tpu.memref_squeeze %dma_start3A_1066 : memref<1x48x576xf32, #tpu.memory_space<hbm>> -> memref<48x576xf32, #tpu.memory_space<hbm>>
    %dma_start3A_1068 = tpu.memref_slice %arg6[%dma_start3A_1060] : memref<2x!tpu.dma_semaphore, #tpu.memory_space<semaphore_mem>> -> memref<1x!tpu.dma_semaphore, #tpu.memory_space<semaphore_mem>>
    %dma_start3A_1069 = tpu.memref_squeeze %dma_start3A_1068 : memref<1x!tpu.dma_semaphore, #tpu.memory_space<semaphore_mem>> -> memref<!tpu.dma_semaphore, #tpu.memory_space<semaphore_mem>>
    %dma_start3A_1070 = arith.constant 0 : i32
    %dma_start3A_1071 = arith.constant 0 : i32
    %dma_start3A_1072 = tpu.memref_slice %arg4[%dma_start3A_1059, %dma_start3A_1070, %dma_start3A_1071] : memref<2x48x576xf32, #tpu.memory_space<vmem>> -> memref<1x48x576xf32, #tpu.memory_space<vmem>>
    %dma_start3A_1073 = tpu.memref_squeeze %dma_start3A_1072 : memref<1x48x576xf32, #tpu.memory_space<vmem>> -> memref<48x576xf32, #tpu.memory_space<vmem>>
    %dma_start3A_1074 = arith.constant 0 : i32
    %dma_start3A_1075 = tpu.memref_slice %arg2[%select_n3A_1040, %mul3A_1058, %dma_start3A_1074] : memref<16x768x576xf32, #tpu.memory_space<hbm>> -> memref<1x48x576xf32, #tpu.memory_space<hbm>>
    %dma_start3A_1076 = tpu.memref_squeeze %dma_start3A_1075 : memref<1x48x576xf32, #tpu.memory_space<hbm>> -> memref<48x576xf32, #tpu.memory_space<hbm>>
    tpu.enqueue_dma source(%dma_start3A_1076 : memref<48x576xf32, #tpu.memory_space<hbm>>) target(%dma_start3A_1073 : memref<48x576xf32, #tpu.memory_space<vmem>>) target_semaphore(%dma_start3A_1069 : memref<!tpu.dma_semaphore, #tpu.memory_space<semaphore_mem>>)
    %mul3A_1077 = arith.constant 8 : i32
    %mul3A_1078 = arith.muli %add3A, %mul3A_1077 : i32
    %add3A_1079 = arith.constant 2 : i32
    %add3A_1080 = arith.addi %mul3A_1078, %add3A_1079 : i32
    %jit3A_1081 = arith.constant 16 : i32
    %div3A_1082 = arith.divsi %add3A_1080, %jit3A_1081 : i32
    %sign3A_1083 = arith.constant 0 : i32
    %sign3A_1084 = arith.cmpi sgt, %add3A_1080, %sign3A_1083 : i32
    %sign3A_1085 = arith.extui %sign3A_1084 : i1 to i32
    %sign3A_1086 = arith.constant 0 : i32
    %sign3A_1087 = arith.cmpi slt, %add3A_1080, %sign3A_1086 : i32
    %sign3A_1088 = arith.extui %sign3A_1087 : i1 to i32
    %sign3A_1089 = arith.subi %sign3A_1085, %sign3A_1088 : i32
    %sign3A_1090 = arith.constant 0 : i32
    %sign3A_1091 = arith.cmpi sgt, %jit3A_1081, %sign3A_1090 : i32
    %sign3A_1092 = arith.extui %sign3A_1091 : i1 to i32
    %sign3A_1093 = arith.constant 0 : i32
    %sign3A_1094 = arith.cmpi slt, %jit3A_1081, %sign3A_1093 : i32
    %sign3A_1095 = arith.extui %sign3A_1094 : i1 to i32
    %sign3A_1096 = arith.subi %sign3A_1092, %sign3A_1095 : i32
    %ne3A_1097 = arith.cmpi ne, %sign3A_1089, %sign3A_1096 : i32
    %rem3A_1098 = arith.remsi %add3A_1080, %jit3A_1081 : i32
    %ne3A_1099 = arith.constant 0 : i32
    %ne3A_1100 = arith.cmpi ne, %rem3A_1098, %ne3A_1099 : i32
    %and3A_1101 = arith.andi %ne3A_1097, %ne3A_1100 : i1
    %sub3A_1102 = arith.constant 1 : i32
    %sub3A_1103 = arith.subi %div3A_1082, %sub3A_1102 : i32
    %select_n3A_1104 = arith.select %and3A_1101, %sub3A_1103, %div3A_1082 : i32
    %jit3A_1105 = arith.constant 16 : i32
    %eq3A_1106 = arith.constant 0 : i32
    %eq3A_1107 = arith.cmpi eq, %jit3A_1105, %eq3A_1106 : i32
    %jit3A_1108 = arith.constant 1 : i32
    %select_n3A_1109 = arith.select %eq3A_1107, %jit3A_1108, %jit3A_1105 : i32
    %rem3A_1110 = arith.remsi %add3A_1080, %select_n3A_1109 : i32
    %ne3A_1111 = arith.constant 0 : i32
    %ne3A_1112 = arith.cmpi ne, %rem3A_1110, %ne3A_1111 : i32
    %lt3A_1113 = arith.constant 0 : i32
    %lt3A_1114 = arith.cmpi slt, %rem3A_1110, %lt3A_1113 : i32
    %lt3A_1115 = arith.constant 0 : i32
    %lt3A_1116 = arith.cmpi slt, %select_n3A_1109, %lt3A_1115 : i32
    %ne3A_1117 = arith.xori %lt3A_1114, %lt3A_1116 : i1
    %and3A_1118 = arith.andi %ne3A_1117, %ne3A_1112 : i1
    %add3A_1119 = arith.addi %rem3A_1110, %select_n3A_1109 : i32
    %select_n3A_1120 = arith.select %and3A_1118, %add3A_1119, %rem3A_1110 : i32
    %mul3A_1121 = arith.constant 48 : i32
    %mul3A_1122 = arith.muli %select_n3A_1120, %mul3A_1121 : i32
    %dma_wait3A_1123 = arith.constant 0 : i32
    %dma_wait3A_1124 = arith.constant 0 : i32
    %dma_wait3A_1125 = arith.constant 0 : i32
    %dma_wait3A_1126 = arith.constant 0 : i32
    %dma_wait3A_1127 = tpu.memref_slice %arg5[%dma_wait3A_1123, %dma_wait3A_1125, %dma_wait3A_1126] : memref<2x576x48xf32, #tpu.memory_space<vmem>> -> memref<1x576x48xf32, #tpu.memory_space<vmem>>
    %dma_wait3A_1128 = tpu.memref_squeeze %dma_wait3A_1127 : memref<1x576x48xf32, #tpu.memory_space<vmem>> -> memref<576x48xf32, #tpu.memory_space<vmem>>
    %dma_wait3A_1129 = arith.constant 0 : i32
    %dma_wait3A_1130 = tpu.memref_slice %arg3[%select_n3A_1104, %dma_wait3A_1129, %mul3A_1122] : memref<16x576x768xf32, #tpu.memory_space<hbm>> -> memref<1x576x48xf32, #tpu.memory_space<hbm>>
    %dma_wait3A_1131 = tpu.memref_squeeze %dma_wait3A_1130 : memref<1x576x48xf32, #tpu.memory_space<hbm>> -> memref<576x48xf32, #tpu.memory_space<hbm>>
    %dma_wait3A_1132 = tpu.memref_slice %arg7[%dma_wait3A_1124] : memref<2x!tpu.dma_semaphore, #tpu.memory_space<semaphore_mem>> -> memref<1x!tpu.dma_semaphore, #tpu.memory_space<semaphore_mem>>
    %dma_wait3A_1133 = tpu.memref_squeeze %dma_wait3A_1132 : memref<1x!tpu.dma_semaphore, #tpu.memory_space<semaphore_mem>> -> memref<!tpu.dma_semaphore, #tpu.memory_space<semaphore_mem>>
    %dma_wait3A_1134 = arith.constant 0 : i32
    %dma_wait3A_1135 = tpu.memref_slice %arg3[%select_n3A_1104, %dma_wait3A_1134, %mul3A_1122] : memref<16x576x768xf32, #tpu.memory_space<hbm>> -> memref<1x576x48xf32, #tpu.memory_space<hbm>>
    %dma_wait3A_1136 = tpu.memref_squeeze %dma_wait3A_1135 : memref<1x576x48xf32, #tpu.memory_space<hbm>> -> memref<576x48xf32, #tpu.memory_space<hbm>>
    %dma_wait3A_1137 = arith.constant 0 : i32
    %dma_wait3A_1138 = arith.constant 0 : i32
    %dma_wait3A_1139 = tpu.memref_slice %arg5[%dma_wait3A_1123, %dma_wait3A_1137, %dma_wait3A_1138] : memref<2x576x48xf32, #tpu.memory_space<vmem>> -> memref<1x576x48xf32, #tpu.memory_space<vmem>>
    %dma_wait3A_1140 = tpu.memref_squeeze %dma_wait3A_1139 : memref<1x576x48xf32, #tpu.memory_space<vmem>> -> memref<576x48xf32, #tpu.memory_space<vmem>>
    tpu.wait_dma2 semaphore(%dma_wait3A_1133 : memref<!tpu.dma_semaphore, #tpu.memory_space<semaphore_mem>>) src(%dma_wait3A_1140 : memref<576x48xf32, #tpu.memory_space<vmem>>) dst(%dma_wait3A_1136 : memref<576x48xf32, #tpu.memory_space<hbm>>)
    %mul3A_1141 = arith.constant 8 : i32
    %mul3A_1142 = arith.muli %add3A, %mul3A_1141 : i32
    %add3A_1143 = arith.constant 4 : i32
    %add3A_1144 = arith.addi %mul3A_1142, %add3A_1143 : i32
    %jit3A_1145 = arith.constant 16 : i32
    %div3A_1146 = arith.divsi %add3A_1144, %jit3A_1145 : i32
    %sign3A_1147 = arith.constant 0 : i32
    %sign3A_1148 = arith.cmpi sgt, %add3A_1144, %sign3A_1147 : i32
    %sign3A_1149 = arith.extui %sign3A_1148 : i1 to i32
    %sign3A_1150 = arith.constant 0 : i32
    %sign3A_1151 = arith.cmpi slt, %add3A_1144, %sign3A_1150 : i32
    %sign3A_1152 = arith.extui %sign3A_1151 : i1 to i32
    %sign3A_1153 = arith.subi %sign3A_1149, %sign3A_1152 : i32
    %sign3A_1154 = arith.constant 0 : i32
    %sign3A_1155 = arith.cmpi sgt, %jit3A_1145, %sign3A_1154 : i32
    %sign3A_1156 = arith.extui %sign3A_1155 : i1 to i32
    %sign3A_1157 = arith.constant 0 : i32
    %sign3A_1158 = arith.cmpi slt, %jit3A_1145, %sign3A_1157 : i32
    %sign3A_1159 = arith.extui %sign3A_1158 : i1 to i32
    %sign3A_1160 = arith.subi %sign3A_1156, %sign3A_1159 : i32
    %ne3A_1161 = arith.cmpi ne, %sign3A_1153, %sign3A_1160 : i32
    %rem3A_1162 = arith.remsi %add3A_1144, %jit3A_1145 : i32
    %ne3A_1163 = arith.constant 0 : i32
    %ne3A_1164 = arith.cmpi ne, %rem3A_1162, %ne3A_1163 : i32
    %and3A_1165 = arith.andi %ne3A_1161, %ne3A_1164 : i1
    %sub3A_1166 = arith.constant 1 : i32
    %sub3A_1167 = arith.subi %div3A_1146, %sub3A_1166 : i32
    %select_n3A_1168 = arith.select %and3A_1165, %sub3A_1167, %div3A_1146 : i32
    %jit3A_1169 = arith.constant 16 : i32
    %eq3A_1170 = arith.constant 0 : i32
    %eq3A_1171 = arith.cmpi eq, %jit3A_1169, %eq3A_1170 : i32
    %jit3A_1172 = arith.constant 1 : i32
    %select_n3A_1173 = arith.select %eq3A_1171, %jit3A_1172, %jit3A_1169 : i32
    %rem3A_1174 = arith.remsi %add3A_1144, %select_n3A_1173 : i32
    %ne3A_1175 = arith.constant 0 : i32
    %ne3A_1176 = arith.cmpi ne, %rem3A_1174, %ne3A_1175 : i32
    %lt3A_1177 = arith.constant 0 : i32
    %lt3A_1178 = arith.cmpi slt, %rem3A_1174, %lt3A_1177 : i32
    %lt3A_1179 = arith.constant 0 : i32
    %lt3A_1180 = arith.cmpi slt, %select_n3A_1173, %lt3A_1179 : i32
    %ne3A_1181 = arith.xori %lt3A_1178, %lt3A_1180 : i1
    %and3A_1182 = arith.andi %ne3A_1181, %ne3A_1176 : i1
    %add3A_1183 = arith.addi %rem3A_1174, %select_n3A_1173 : i32
    %select_n3A_1184 = arith.select %and3A_1182, %add3A_1183, %rem3A_1174 : i32
    %mul3A_1185 = arith.constant 48 : i32
    %mul3A_1186 = arith.muli %select_n3A_1184, %mul3A_1185 : i32
    %dma_start3A_1187 = arith.constant 0 : i32
    %dma_start3A_1188 = arith.constant 0 : i32
    %dma_start3A_1189 = arith.constant 0 : i32
    %dma_start3A_1190 = arith.constant 0 : i32
    %dma_start3A_1191 = tpu.memref_slice %arg5[%dma_start3A_1187, %dma_start3A_1189, %dma_start3A_1190] : memref<2x576x48xf32, #tpu.memory_space<vmem>> -> memref<1x576x48xf32, #tpu.memory_space<vmem>>
    %dma_start3A_1192 = tpu.memref_squeeze %dma_start3A_1191 : memref<1x576x48xf32, #tpu.memory_space<vmem>> -> memref<576x48xf32, #tpu.memory_space<vmem>>
    %dma_start3A_1193 = arith.constant 0 : i32
    %dma_start3A_1194 = tpu.memref_slice %arg3[%select_n3A_1168, %dma_start3A_1193, %mul3A_1186] : memref<16x576x768xf32, #tpu.memory_space<hbm>> -> memref<1x576x48xf32, #tpu.memory_space<hbm>>
    %dma_start3A_1195 = tpu.memref_squeeze %dma_start3A_1194 : memref<1x576x48xf32, #tpu.memory_space<hbm>> -> memref<576x48xf32, #tpu.memory_space<hbm>>
    %dma_start3A_1196 = tpu.memref_slice %arg7[%dma_start3A_1188] : memref<2x!tpu.dma_semaphore, #tpu.memory_space<semaphore_mem>> -> memref<1x!tpu.dma_semaphore, #tpu.memory_space<semaphore_mem>>
    %dma_start3A_1197 = tpu.memref_squeeze %dma_start3A_1196 : memref<1x!tpu.dma_semaphore, #tpu.memory_space<semaphore_mem>> -> memref<!tpu.dma_semaphore, #tpu.memory_space<semaphore_mem>>
    %dma_start3A_1198 = arith.constant 0 : i32
    %dma_start3A_1199 = tpu.memref_slice %arg3[%select_n3A_1168, %dma_start3A_1198, %mul3A_1186] : memref<16x576x768xf32, #tpu.memory_space<hbm>> -> memref<1x576x48xf32, #tpu.memory_space<hbm>>
    %dma_start3A_1200 = tpu.memref_squeeze %dma_start3A_1199 : memref<1x576x48xf32, #tpu.memory_space<hbm>> -> memref<576x48xf32, #tpu.memory_space<hbm>>
    %dma_start3A_1201 = arith.constant 0 : i32
    %dma_start3A_1202 = arith.constant 0 : i32
    %dma_start3A_1203 = tpu.memref_slice %arg5[%dma_start3A_1187, %dma_start3A_1201, %dma_start3A_1202] : memref<2x576x48xf32, #tpu.memory_space<vmem>> -> memref<1x576x48xf32, #tpu.memory_space<vmem>>
    %dma_start3A_1204 = tpu.memref_squeeze %dma_start3A_1203 : memref<1x576x48xf32, #tpu.memory_space<vmem>> -> memref<576x48xf32, #tpu.memory_space<vmem>>
    tpu.enqueue_dma source(%dma_start3A_1204 : memref<576x48xf32, #tpu.memory_space<vmem>>) target(%dma_start3A_1200 : memref<576x48xf32, #tpu.memory_space<hbm>>) target_semaphore(%dma_start3A_1197 : memref<!tpu.dma_semaphore, #tpu.memory_space<semaphore_mem>>)
    %mul3A_1205 = arith.constant 8 : i32
    %mul3A_1206 = arith.muli %add3A, %mul3A_1205 : i32
    %add3A_1207 = arith.constant 5 : i32
    %add3A_1208 = arith.addi %mul3A_1206, %add3A_1207 : i32
    %jit3A_1209 = arith.constant 16 : i32
    %div3A_1210 = arith.divsi %add3A_1208, %jit3A_1209 : i32
    %sign3A_1211 = arith.constant 0 : i32
    %sign3A_1212 = arith.cmpi sgt, %add3A_1208, %sign3A_1211 : i32
    %sign3A_1213 = arith.extui %sign3A_1212 : i1 to i32
    %sign3A_1214 = arith.constant 0 : i32
    %sign3A_1215 = arith.cmpi slt, %add3A_1208, %sign3A_1214 : i32
    %sign3A_1216 = arith.extui %sign3A_1215 : i1 to i32
    %sign3A_1217 = arith.subi %sign3A_1213, %sign3A_1216 : i32
    %sign3A_1218 = arith.constant 0 : i32
    %sign3A_1219 = arith.cmpi sgt, %jit3A_1209, %sign3A_1218 : i32
    %sign3A_1220 = arith.extui %sign3A_1219 : i1 to i32
    %sign3A_1221 = arith.constant 0 : i32
    %sign3A_1222 = arith.cmpi slt, %jit3A_1209, %sign3A_1221 : i32
    %sign3A_1223 = arith.extui %sign3A_1222 : i1 to i32
    %sign3A_1224 = arith.subi %sign3A_1220, %sign3A_1223 : i32
    %ne3A_1225 = arith.cmpi ne, %sign3A_1217, %sign3A_1224 : i32
    %rem3A_1226 = arith.remsi %add3A_1208, %jit3A_1209 : i32
    %ne3A_1227 = arith.constant 0 : i32
    %ne3A_1228 = arith.cmpi ne, %rem3A_1226, %ne3A_1227 : i32
    %and3A_1229 = arith.andi %ne3A_1225, %ne3A_1228 : i1
    %sub3A_1230 = arith.constant 1 : i32
    %sub3A_1231 = arith.subi %div3A_1210, %sub3A_1230 : i32
    %select_n3A_1232 = arith.select %and3A_1229, %sub3A_1231, %div3A_1210 : i32
    %jit3A_1233 = arith.constant 16 : i32
    %eq3A_1234 = arith.constant 0 : i32
    %eq3A_1235 = arith.cmpi eq, %jit3A_1233, %eq3A_1234 : i32
    %jit3A_1236 = arith.constant 1 : i32
    %select_n3A_1237 = arith.select %eq3A_1235, %jit3A_1236, %jit3A_1233 : i32
    %rem3A_1238 = arith.remsi %add3A_1208, %select_n3A_1237 : i32
    %ne3A_1239 = arith.constant 0 : i32
    %ne3A_1240 = arith.cmpi ne, %rem3A_1238, %ne3A_1239 : i32
    %lt3A_1241 = arith.constant 0 : i32
    %lt3A_1242 = arith.cmpi slt, %rem3A_1238, %lt3A_1241 : i32
    %lt3A_1243 = arith.constant 0 : i32
    %lt3A_1244 = arith.cmpi slt, %select_n3A_1237, %lt3A_1243 : i32
    %ne3A_1245 = arith.xori %lt3A_1242, %lt3A_1244 : i1
    %and3A_1246 = arith.andi %ne3A_1245, %ne3A_1240 : i1
    %add3A_1247 = arith.addi %rem3A_1238, %select_n3A_1237 : i32
    %select_n3A_1248 = arith.select %and3A_1246, %add3A_1247, %rem3A_1238 : i32
    %mul3A_1249 = arith.constant 48 : i32
    %mul3A_1250 = arith.muli %select_n3A_1248, %mul3A_1249 : i32
    %dma_wait3A_1251 = arith.constant 1 : i32
    %dma_wait3A_1252 = arith.constant 1 : i32
    %dma_wait3A_1253 = arith.constant 0 : i32
    %dma_wait3A_1254 = arith.constant 0 : i32
    %dma_wait3A_1255 = tpu.memref_slice %arg4[%dma_wait3A_1251, %dma_wait3A_1253, %dma_wait3A_1254] : memref<2x48x576xf32, #tpu.memory_space<vmem>> -> memref<1x48x576xf32, #tpu.memory_space<vmem>>
    %dma_wait3A_1256 = tpu.memref_squeeze %dma_wait3A_1255 : memref<1x48x576xf32, #tpu.memory_space<vmem>> -> memref<48x576xf32, #tpu.memory_space<vmem>>
    %dma_wait3A_1257 = arith.constant 0 : i32
    %dma_wait3A_1258 = tpu.memref_slice %arg2[%select_n3A_1232, %mul3A_1250, %dma_wait3A_1257] : memref<16x768x576xf32, #tpu.memory_space<hbm>> -> memref<1x48x576xf32, #tpu.memory_space<hbm>>
    %dma_wait3A_1259 = tpu.memref_squeeze %dma_wait3A_1258 : memref<1x48x576xf32, #tpu.memory_space<hbm>> -> memref<48x576xf32, #tpu.memory_space<hbm>>
    %dma_wait3A_1260 = tpu.memref_slice %arg6[%dma_wait3A_1252] : memref<2x!tpu.dma_semaphore, #tpu.memory_space<semaphore_mem>> -> memref<1x!tpu.dma_semaphore, #tpu.memory_space<semaphore_mem>>
    %dma_wait3A_1261 = tpu.memref_squeeze %dma_wait3A_1260 : memref<1x!tpu.dma_semaphore, #tpu.memory_space<semaphore_mem>> -> memref<!tpu.dma_semaphore, #tpu.memory_space<semaphore_mem>>
    %dma_wait3A_1262 = arith.constant 0 : i32
    %dma_wait3A_1263 = arith.constant 0 : i32
    %dma_wait3A_1264 = tpu.memref_slice %arg4[%dma_wait3A_1251, %dma_wait3A_1262, %dma_wait3A_1263] : memref<2x48x576xf32, #tpu.memory_space<vmem>> -> memref<1x48x576xf32, #tpu.memory_space<vmem>>
    %dma_wait3A_1265 = tpu.memref_squeeze %dma_wait3A_1264 : memref<1x48x576xf32, #tpu.memory_space<vmem>> -> memref<48x576xf32, #tpu.memory_space<vmem>>
    %dma_wait3A_1266 = arith.constant 0 : i32
    %dma_wait3A_1267 = tpu.memref_slice %arg2[%select_n3A_1232, %mul3A_1250, %dma_wait3A_1266] : memref<16x768x576xf32, #tpu.memory_space<hbm>> -> memref<1x48x576xf32, #tpu.memory_space<hbm>>
    %dma_wait3A_1268 = tpu.memref_squeeze %dma_wait3A_1267 : memref<1x48x576xf32, #tpu.memory_space<hbm>> -> memref<48x576xf32, #tpu.memory_space<hbm>>
    tpu.wait_dma2 semaphore(%dma_wait3A_1261 : memref<!tpu.dma_semaphore, #tpu.memory_space<semaphore_mem>>) src(%dma_wait3A_1268 : memref<48x576xf32, #tpu.memory_space<hbm>>) dst(%dma_wait3A_1265 : memref<48x576xf32, #tpu.memory_space<vmem>>)
    %mul3A_1269 = arith.constant 8 : i32
    %mul3A_1270 = arith.muli %add3A, %mul3A_1269 : i32
    %add3A_1271 = arith.constant 6 : i32
    %add3A_1272 = arith.addi %mul3A_1270, %add3A_1271 : i32
    %jit3A_1273 = arith.constant 16 : i32
    %div3A_1274 = arith.divsi %add3A_1272, %jit3A_1273 : i32
    %sign3A_1275 = arith.constant 0 : i32
    %sign3A_1276 = arith.cmpi sgt, %add3A_1272, %sign3A_1275 : i32
    %sign3A_1277 = arith.extui %sign3A_1276 : i1 to i32
    %sign3A_1278 = arith.constant 0 : i32
    %sign3A_1279 = arith.cmpi slt, %add3A_1272, %sign3A_1278 : i32
    %sign3A_1280 = arith.extui %sign3A_1279 : i1 to i32
    %sign3A_1281 = arith.subi %sign3A_1277, %sign3A_1280 : i32
    %sign3A_1282 = arith.constant 0 : i32
    %sign3A_1283 = arith.cmpi sgt, %jit3A_1273, %sign3A_1282 : i32
    %sign3A_1284 = arith.extui %sign3A_1283 : i1 to i32
    %sign3A_1285 = arith.constant 0 : i32
    %sign3A_1286 = arith.cmpi slt, %jit3A_1273, %sign3A_1285 : i32
    %sign3A_1287 = arith.extui %sign3A_1286 : i1 to i32
    %sign3A_1288 = arith.subi %sign3A_1284, %sign3A_1287 : i32
    %ne3A_1289 = arith.cmpi ne, %sign3A_1281, %sign3A_1288 : i32
    %rem3A_1290 = arith.remsi %add3A_1272, %jit3A_1273 : i32
    %ne3A_1291 = arith.constant 0 : i32
    %ne3A_1292 = arith.cmpi ne, %rem3A_1290, %ne3A_1291 : i32
    %and3A_1293 = arith.andi %ne3A_1289, %ne3A_1292 : i1
    %sub3A_1294 = arith.constant 1 : i32
    %sub3A_1295 = arith.subi %div3A_1274, %sub3A_1294 : i32
    %select_n3A_1296 = arith.select %and3A_1293, %sub3A_1295, %div3A_1274 : i32
    %jit3A_1297 = arith.constant 16 : i32
    %eq3A_1298 = arith.constant 0 : i32
    %eq3A_1299 = arith.cmpi eq, %jit3A_1297, %eq3A_1298 : i32
    %jit3A_1300 = arith.constant 1 : i32
    %select_n3A_1301 = arith.select %eq3A_1299, %jit3A_1300, %jit3A_1297 : i32
    %rem3A_1302 = arith.remsi %add3A_1272, %select_n3A_1301 : i32
    %ne3A_1303 = arith.constant 0 : i32
    %ne3A_1304 = arith.cmpi ne, %rem3A_1302, %ne3A_1303 : i32
    %lt3A_1305 = arith.constant 0 : i32
    %lt3A_1306 = arith.cmpi slt, %rem3A_1302, %lt3A_1305 : i32
    %lt3A_1307 = arith.constant 0 : i32
    %lt3A_1308 = arith.cmpi slt, %select_n3A_1301, %lt3A_1307 : i32
    %ne3A_1309 = arith.xori %lt3A_1306, %lt3A_1308 : i1
    %and3A_1310 = arith.andi %ne3A_1309, %ne3A_1304 : i1
    %add3A_1311 = arith.addi %rem3A_1302, %select_n3A_1301 : i32
    %select_n3A_1312 = arith.select %and3A_1310, %add3A_1311, %rem3A_1302 : i32
    %mul3A_1313 = arith.constant 48 : i32
    %mul3A_1314 = arith.muli %select_n3A_1312, %mul3A_1313 : i32
    %dma_start3A_1315 = arith.constant 0 : i32
    %dma_start3A_1316 = arith.constant 0 : i32
    %dma_start3A_1317 = arith.constant 0 : i32
    %dma_start3A_1318 = arith.constant 0 : i32
    %dma_start3A_1319 = tpu.memref_slice %arg4[%dma_start3A_1315, %dma_start3A_1317, %dma_start3A_1318] : memref<2x48x576xf32, #tpu.memory_space<vmem>> -> memref<1x48x576xf32, #tpu.memory_space<vmem>>
    %dma_start3A_1320 = tpu.memref_squeeze %dma_start3A_1319 : memref<1x48x576xf32, #tpu.memory_space<vmem>> -> memref<48x576xf32, #tpu.memory_space<vmem>>
    %dma_start3A_1321 = arith.constant 0 : i32
    %dma_start3A_1322 = tpu.memref_slice %arg2[%select_n3A_1296, %mul3A_1314, %dma_start3A_1321] : memref<16x768x576xf32, #tpu.memory_space<hbm>> -> memref<1x48x576xf32, #tpu.memory_space<hbm>>
    %dma_start3A_1323 = tpu.memref_squeeze %dma_start3A_1322 : memref<1x48x576xf32, #tpu.memory_space<hbm>> -> memref<48x576xf32, #tpu.memory_space<hbm>>
    %dma_start3A_1324 = tpu.memref_slice %arg6[%dma_start3A_1316] : memref<2x!tpu.dma_semaphore, #tpu.memory_space<semaphore_mem>> -> memref<1x!tpu.dma_semaphore, #tpu.memory_space<semaphore_mem>>
    %dma_start3A_1325 = tpu.memref_squeeze %dma_start3A_1324 : memref<1x!tpu.dma_semaphore, #tpu.memory_space<semaphore_mem>> -> memref<!tpu.dma_semaphore, #tpu.memory_space<semaphore_mem>>
    %dma_start3A_1326 = arith.constant 0 : i32
    %dma_start3A_1327 = arith.constant 0 : i32
    %dma_start3A_1328 = tpu.memref_slice %arg4[%dma_start3A_1315, %dma_start3A_1326, %dma_start3A_1327] : memref<2x48x576xf32, #tpu.memory_space<vmem>> -> memref<1x48x576xf32, #tpu.memory_space<vmem>>
    %dma_start3A_1329 = tpu.memref_squeeze %dma_start3A_1328 : memref<1x48x576xf32, #tpu.memory_space<vmem>> -> memref<48x576xf32, #tpu.memory_space<vmem>>
    %dma_start3A_1330 = arith.constant 0 : i32
    %dma_start3A_1331 = tpu.memref_slice %arg2[%select_n3A_1296, %mul3A_1314, %dma_start3A_1330] : memref<16x768x576xf32, #tpu.memory_space<hbm>> -> memref<1x48x576xf32, #tpu.memory_space<hbm>>
    %dma_start3A_1332 = tpu.memref_squeeze %dma_start3A_1331 : memref<1x48x576xf32, #tpu.memory_space<hbm>> -> memref<48x576xf32, #tpu.memory_space<hbm>>
    tpu.enqueue_dma source(%dma_start3A_1332 : memref<48x576xf32, #tpu.memory_space<hbm>>) target(%dma_start3A_1329 : memref<48x576xf32, #tpu.memory_space<vmem>>) target_semaphore(%dma_start3A_1325 : memref<!tpu.dma_semaphore, #tpu.memory_space<semaphore_mem>>)
    %mul3A_1333 = arith.constant 8 : i32
    %mul3A_1334 = arith.muli %add3A, %mul3A_1333 : i32
    %add3A_1335 = arith.constant 3 : i32
    %add3A_1336 = arith.addi %mul3A_1334, %add3A_1335 : i32
    %jit3A_1337 = arith.constant 16 : i32
    %div3A_1338 = arith.divsi %add3A_1336, %jit3A_1337 : i32
    %sign3A_1339 = arith.constant 0 : i32
    %sign3A_1340 = arith.cmpi sgt, %add3A_1336, %sign3A_1339 : i32
    %sign3A_1341 = arith.extui %sign3A_1340 : i1 to i32
    %sign3A_1342 = arith.constant 0 : i32
    %sign3A_1343 = arith.cmpi slt, %add3A_1336, %sign3A_1342 : i32
    %sign3A_1344 = arith.extui %sign3A_1343 : i1 to i32
    %sign3A_1345 = arith.subi %sign3A_1341, %sign3A_1344 : i32
    %sign3A_1346 = arith.constant 0 : i32
    %sign3A_1347 = arith.cmpi sgt, %jit3A_1337, %sign3A_1346 : i32
    %sign3A_1348 = arith.extui %sign3A_1347 : i1 to i32
    %sign3A_1349 = arith.constant 0 : i32
    %sign3A_1350 = arith.cmpi slt, %jit3A_1337, %sign3A_1349 : i32
    %sign3A_1351 = arith.extui %sign3A_1350 : i1 to i32
    %sign3A_1352 = arith.subi %sign3A_1348, %sign3A_1351 : i32
    %ne3A_1353 = arith.cmpi ne, %sign3A_1345, %sign3A_1352 : i32
    %rem3A_1354 = arith.remsi %add3A_1336, %jit3A_1337 : i32
    %ne3A_1355 = arith.constant 0 : i32
    %ne3A_1356 = arith.cmpi ne, %rem3A_1354, %ne3A_1355 : i32
    %and3A_1357 = arith.andi %ne3A_1353, %ne3A_1356 : i1
    %sub3A_1358 = arith.constant 1 : i32
    %sub3A_1359 = arith.subi %div3A_1338, %sub3A_1358 : i32
    %select_n3A_1360 = arith.select %and3A_1357, %sub3A_1359, %div3A_1338 : i32
    %jit3A_1361 = arith.constant 16 : i32
    %eq3A_1362 = arith.constant 0 : i32
    %eq3A_1363 = arith.cmpi eq, %jit3A_1361, %eq3A_1362 : i32
    %jit3A_1364 = arith.constant 1 : i32
    %select_n3A_1365 = arith.select %eq3A_1363, %jit3A_1364, %jit3A_1361 : i32
    %rem3A_1366 = arith.remsi %add3A_1336, %select_n3A_1365 : i32
    %ne3A_1367 = arith.constant 0 : i32
    %ne3A_1368 = arith.cmpi ne, %rem3A_1366, %ne3A_1367 : i32
    %lt3A_1369 = arith.constant 0 : i32
    %lt3A_1370 = arith.cmpi slt, %rem3A_1366, %lt3A_1369 : i32
    %lt3A_1371 = arith.constant 0 : i32
    %lt3A_1372 = arith.cmpi slt, %select_n3A_1365, %lt3A_1371 : i32
    %ne3A_1373 = arith.xori %lt3A_1370, %lt3A_1372 : i1
    %and3A_1374 = arith.andi %ne3A_1373, %ne3A_1368 : i1
    %add3A_1375 = arith.addi %rem3A_1366, %select_n3A_1365 : i32
    %select_n3A_1376 = arith.select %and3A_1374, %add3A_1375, %rem3A_1366 : i32
    %mul3A_1377 = arith.constant 48 : i32
    %mul3A_1378 = arith.muli %select_n3A_1376, %mul3A_1377 : i32
    %dma_wait3A_1379 = arith.constant 1 : i32
    %dma_wait3A_1380 = arith.constant 1 : i32
    %dma_wait3A_1381 = arith.constant 0 : i32
    %dma_wait3A_1382 = arith.constant 0 : i32
    %dma_wait3A_1383 = tpu.memref_slice %arg5[%dma_wait3A_1379, %dma_wait3A_1381, %dma_wait3A_1382] : memref<2x576x48xf32, #tpu.memory_space<vmem>> -> memref<1x576x48xf32, #tpu.memory_space<vmem>>
    %dma_wait3A_1384 = tpu.memref_squeeze %dma_wait3A_1383 : memref<1x576x48xf32, #tpu.memory_space<vmem>> -> memref<576x48xf32, #tpu.memory_space<vmem>>
    %dma_wait3A_1385 = arith.constant 0 : i32
    %dma_wait3A_1386 = tpu.memref_slice %arg3[%select_n3A_1360, %dma_wait3A_1385, %mul3A_1378] : memref<16x576x768xf32, #tpu.memory_space<hbm>> -> memref<1x576x48xf32, #tpu.memory_space<hbm>>
    %dma_wait3A_1387 = tpu.memref_squeeze %dma_wait3A_1386 : memref<1x576x48xf32, #tpu.memory_space<hbm>> -> memref<576x48xf32, #tpu.memory_space<hbm>>
    %dma_wait3A_1388 = tpu.memref_slice %arg7[%dma_wait3A_1380] : memref<2x!tpu.dma_semaphore, #tpu.memory_space<semaphore_mem>> -> memref<1x!tpu.dma_semaphore, #tpu.memory_space<semaphore_mem>>
    %dma_wait3A_1389 = tpu.memref_squeeze %dma_wait3A_1388 : memref<1x!tpu.dma_semaphore, #tpu.memory_space<semaphore_mem>> -> memref<!tpu.dma_semaphore, #tpu.memory_space<semaphore_mem>>
    %dma_wait3A_1390 = arith.constant 0 : i32
    %dma_wait3A_1391 = tpu.memref_slice %arg3[%select_n3A_1360, %dma_wait3A_1390, %mul3A_1378] : memref<16x576x768xf32, #tpu.memory_space<hbm>> -> memref<1x576x48xf32, #tpu.memory_space<hbm>>
    %dma_wait3A_1392 = tpu.memref_squeeze %dma_wait3A_1391 : memref<1x576x48xf32, #tpu.memory_space<hbm>> -> memref<576x48xf32, #tpu.memory_space<hbm>>
    %dma_wait3A_1393 = arith.constant 0 : i32
    %dma_wait3A_1394 = arith.constant 0 : i32
    %dma_wait3A_1395 = tpu.memref_slice %arg5[%dma_wait3A_1379, %dma_wait3A_1393, %dma_wait3A_1394] : memref<2x576x48xf32, #tpu.memory_space<vmem>> -> memref<1x576x48xf32, #tpu.memory_space<vmem>>
    %dma_wait3A_1396 = tpu.memref_squeeze %dma_wait3A_1395 : memref<1x576x48xf32, #tpu.memory_space<vmem>> -> memref<576x48xf32, #tpu.memory_space<vmem>>
    tpu.wait_dma2 semaphore(%dma_wait3A_1389 : memref<!tpu.dma_semaphore, #tpu.memory_space<semaphore_mem>>) src(%dma_wait3A_1396 : memref<576x48xf32, #tpu.memory_space<vmem>>) dst(%dma_wait3A_1392 : memref<576x48xf32, #tpu.memory_space<hbm>>)
    %mul3A_1397 = arith.constant 8 : i32
    %mul3A_1398 = arith.muli %add3A, %mul3A_1397 : i32
    %add3A_1399 = arith.constant 5 : i32
    %add3A_1400 = arith.addi %mul3A_1398, %add3A_1399 : i32
    %jit3A_1401 = arith.constant 16 : i32
    %div3A_1402 = arith.divsi %add3A_1400, %jit3A_1401 : i32
    %sign3A_1403 = arith.constant 0 : i32
    %sign3A_1404 = arith.cmpi sgt, %add3A_1400, %sign3A_1403 : i32
    %sign3A_1405 = arith.extui %sign3A_1404 : i1 to i32
    %sign3A_1406 = arith.constant 0 : i32
    %sign3A_1407 = arith.cmpi slt, %add3A_1400, %sign3A_1406 : i32
    %sign3A_1408 = arith.extui %sign3A_1407 : i1 to i32
    %sign3A_1409 = arith.subi %sign3A_1405, %sign3A_1408 : i32
    %sign3A_1410 = arith.constant 0 : i32
    %sign3A_1411 = arith.cmpi sgt, %jit3A_1401, %sign3A_1410 : i32
    %sign3A_1412 = arith.extui %sign3A_1411 : i1 to i32
    %sign3A_1413 = arith.constant 0 : i32
    %sign3A_1414 = arith.cmpi slt, %jit3A_1401, %sign3A_1413 : i32
    %sign3A_1415 = arith.extui %sign3A_1414 : i1 to i32
    %sign3A_1416 = arith.subi %sign3A_1412, %sign3A_1415 : i32
    %ne3A_1417 = arith.cmpi ne, %sign3A_1409, %sign3A_1416 : i32
    %rem3A_1418 = arith.remsi %add3A_1400, %jit3A_1401 : i32
    %ne3A_1419 = arith.constant 0 : i32
    %ne3A_1420 = arith.cmpi ne, %rem3A_1418, %ne3A_1419 : i32
    %and3A_1421 = arith.andi %ne3A_1417, %ne3A_1420 : i1
    %sub3A_1422 = arith.constant 1 : i32
    %sub3A_1423 = arith.subi %div3A_1402, %sub3A_1422 : i32
    %select_n3A_1424 = arith.select %and3A_1421, %sub3A_1423, %div3A_1402 : i32
    %jit3A_1425 = arith.constant 16 : i32
    %eq3A_1426 = arith.constant 0 : i32
    %eq3A_1427 = arith.cmpi eq, %jit3A_1425, %eq3A_1426 : i32
    %jit3A_1428 = arith.constant 1 : i32
    %select_n3A_1429 = arith.select %eq3A_1427, %jit3A_1428, %jit3A_1425 : i32
    %rem3A_1430 = arith.remsi %add3A_1400, %select_n3A_1429 : i32
    %ne3A_1431 = arith.constant 0 : i32
    %ne3A_1432 = arith.cmpi ne, %rem3A_1430, %ne3A_1431 : i32
    %lt3A_1433 = arith.constant 0 : i32
    %lt3A_1434 = arith.cmpi slt, %rem3A_1430, %lt3A_1433 : i32
    %lt3A_1435 = arith.constant 0 : i32
    %lt3A_1436 = arith.cmpi slt, %select_n3A_1429, %lt3A_1435 : i32
    %ne3A_1437 = arith.xori %lt3A_1434, %lt3A_1436 : i1
    %and3A_1438 = arith.andi %ne3A_1437, %ne3A_1432 : i1
    %add3A_1439 = arith.addi %rem3A_1430, %select_n3A_1429 : i32
    %select_n3A_1440 = arith.select %and3A_1438, %add3A_1439, %rem3A_1430 : i32
    %mul3A_1441 = arith.constant 48 : i32
    %mul3A_1442 = arith.muli %select_n3A_1440, %mul3A_1441 : i32
    %dma_start3A_1443 = arith.constant 1 : i32
    %dma_start3A_1444 = arith.constant 1 : i32
    %dma_start3A_1445 = arith.constant 0 : i32
    %dma_start3A_1446 = arith.constant 0 : i32
    %dma_start3A_1447 = tpu.memref_slice %arg5[%dma_start3A_1443, %dma_start3A_1445, %dma_start3A_1446] : memref<2x576x48xf32, #tpu.memory_space<vmem>> -> memref<1x576x48xf32, #tpu.memory_space<vmem>>
    %dma_start3A_1448 = tpu.memref_squeeze %dma_start3A_1447 : memref<1x576x48xf32, #tpu.memory_space<vmem>> -> memref<576x48xf32, #tpu.memory_space<vmem>>
    %dma_start3A_1449 = arith.constant 0 : i32
    %dma_start3A_1450 = tpu.memref_slice %arg3[%select_n3A_1424, %dma_start3A_1449, %mul3A_1442] : memref<16x576x768xf32, #tpu.memory_space<hbm>> -> memref<1x576x48xf32, #tpu.memory_space<hbm>>
    %dma_start3A_1451 = tpu.memref_squeeze %dma_start3A_1450 : memref<1x576x48xf32, #tpu.memory_space<hbm>> -> memref<576x48xf32, #tpu.memory_space<hbm>>
    %dma_start3A_1452 = tpu.memref_slice %arg7[%dma_start3A_1444] : memref<2x!tpu.dma_semaphore, #tpu.memory_space<semaphore_mem>> -> memref<1x!tpu.dma_semaphore, #tpu.memory_space<semaphore_mem>>
    %dma_start3A_1453 = tpu.memref_squeeze %dma_start3A_1452 : memref<1x!tpu.dma_semaphore, #tpu.memory_space<semaphore_mem>> -> memref<!tpu.dma_semaphore, #tpu.memory_space<semaphore_mem>>
    %dma_start3A_1454 = arith.constant 0 : i32
    %dma_start3A_1455 = tpu.memref_slice %arg3[%select_n3A_1424, %dma_start3A_1454, %mul3A_1442] : memref<16x576x768xf32, #tpu.memory_space<hbm>> -> memref<1x576x48xf32, #tpu.memory_space<hbm>>
    %dma_start3A_1456 = tpu.memref_squeeze %dma_start3A_1455 : memref<1x576x48xf32, #tpu.memory_space<hbm>> -> memref<576x48xf32, #tpu.memory_space<hbm>>
    %dma_start3A_1457 = arith.constant 0 : i32
    %dma_start3A_1458 = arith.constant 0 : i32
    %dma_start3A_1459 = tpu.memref_slice %arg5[%dma_start3A_1443, %dma_start3A_1457, %dma_start3A_1458] : memref<2x576x48xf32, #tpu.memory_space<vmem>> -> memref<1x576x48xf32, #tpu.memory_space<vmem>>
    %dma_start3A_1460 = tpu.memref_squeeze %dma_start3A_1459 : memref<1x576x48xf32, #tpu.memory_space<vmem>> -> memref<576x48xf32, #tpu.memory_space<vmem>>
    tpu.enqueue_dma source(%dma_start3A_1460 : memref<576x48xf32, #tpu.memory_space<vmem>>) target(%dma_start3A_1456 : memref<576x48xf32, #tpu.memory_space<hbm>>) target_semaphore(%dma_start3A_1453 : memref<!tpu.dma_semaphore, #tpu.memory_space<semaphore_mem>>)
    %mul3A_1461 = arith.constant 8 : i32
    %mul3A_1462 = arith.muli %add3A, %mul3A_1461 : i32
    %add3A_1463 = arith.constant 6 : i32
    %add3A_1464 = arith.addi %mul3A_1462, %add3A_1463 : i32
    %jit3A_1465 = arith.constant 16 : i32
    %div3A_1466 = arith.divsi %add3A_1464, %jit3A_1465 : i32
    %sign3A_1467 = arith.constant 0 : i32
    %sign3A_1468 = arith.cmpi sgt, %add3A_1464, %sign3A_1467 : i32
    %sign3A_1469 = arith.extui %sign3A_1468 : i1 to i32
    %sign3A_1470 = arith.constant 0 : i32
    %sign3A_1471 = arith.cmpi slt, %add3A_1464, %sign3A_1470 : i32
    %sign3A_1472 = arith.extui %sign3A_1471 : i1 to i32
    %sign3A_1473 = arith.subi %sign3A_1469, %sign3A_1472 : i32
    %sign3A_1474 = arith.constant 0 : i32
    %sign3A_1475 = arith.cmpi sgt, %jit3A_1465, %sign3A_1474 : i32
    %sign3A_1476 = arith.extui %sign3A_1475 : i1 to i32
    %sign3A_1477 = arith.constant 0 : i32
    %sign3A_1478 = arith.cmpi slt, %jit3A_1465, %sign3A_1477 : i32
    %sign3A_1479 = arith.extui %sign3A_1478 : i1 to i32
    %sign3A_1480 = arith.subi %sign3A_1476, %sign3A_1479 : i32
    %ne3A_1481 = arith.cmpi ne, %sign3A_1473, %sign3A_1480 : i32
    %rem3A_1482 = arith.remsi %add3A_1464, %jit3A_1465 : i32
    %ne3A_1483 = arith.constant 0 : i32
    %ne3A_1484 = arith.cmpi ne, %rem3A_1482, %ne3A_1483 : i32
    %and3A_1485 = arith.andi %ne3A_1481, %ne3A_1484 : i1
    %sub3A_1486 = arith.constant 1 : i32
    %sub3A_1487 = arith.subi %div3A_1466, %sub3A_1486 : i32
    %select_n3A_1488 = arith.select %and3A_1485, %sub3A_1487, %div3A_1466 : i32
    %jit3A_1489 = arith.constant 16 : i32
    %eq3A_1490 = arith.constant 0 : i32
    %eq3A_1491 = arith.cmpi eq, %jit3A_1489, %eq3A_1490 : i32
    %jit3A_1492 = arith.constant 1 : i32
    %select_n3A_1493 = arith.select %eq3A_1491, %jit3A_1492, %jit3A_1489 : i32
    %rem3A_1494 = arith.remsi %add3A_1464, %select_n3A_1493 : i32
    %ne3A_1495 = arith.constant 0 : i32
    %ne3A_1496 = arith.cmpi ne, %rem3A_1494, %ne3A_1495 : i32
    %lt3A_1497 = arith.constant 0 : i32
    %lt3A_1498 = arith.cmpi slt, %rem3A_1494, %lt3A_1497 : i32
    %lt3A_1499 = arith.constant 0 : i32
    %lt3A_1500 = arith.cmpi slt, %select_n3A_1493, %lt3A_1499 : i32
    %ne3A_1501 = arith.xori %lt3A_1498, %lt3A_1500 : i1
    %and3A_1502 = arith.andi %ne3A_1501, %ne3A_1496 : i1
    %add3A_1503 = arith.addi %rem3A_1494, %select_n3A_1493 : i32
    %select_n3A_1504 = arith.select %and3A_1502, %add3A_1503, %rem3A_1494 : i32
    %mul3A_1505 = arith.constant 48 : i32
    %mul3A_1506 = arith.muli %select_n3A_1504, %mul3A_1505 : i32
    %dma_wait3A_1507 = arith.constant 0 : i32
    %dma_wait3A_1508 = arith.constant 0 : i32
    %dma_wait3A_1509 = arith.constant 0 : i32
    %dma_wait3A_1510 = arith.constant 0 : i32
    %dma_wait3A_1511 = tpu.memref_slice %arg4[%dma_wait3A_1507, %dma_wait3A_1509, %dma_wait3A_1510] : memref<2x48x576xf32, #tpu.memory_space<vmem>> -> memref<1x48x576xf32, #tpu.memory_space<vmem>>
    %dma_wait3A_1512 = tpu.memref_squeeze %dma_wait3A_1511 : memref<1x48x576xf32, #tpu.memory_space<vmem>> -> memref<48x576xf32, #tpu.memory_space<vmem>>
    %dma_wait3A_1513 = arith.constant 0 : i32
    %dma_wait3A_1514 = tpu.memref_slice %arg2[%select_n3A_1488, %mul3A_1506, %dma_wait3A_1513] : memref<16x768x576xf32, #tpu.memory_space<hbm>> -> memref<1x48x576xf32, #tpu.memory_space<hbm>>
    %dma_wait3A_1515 = tpu.memref_squeeze %dma_wait3A_1514 : memref<1x48x576xf32, #tpu.memory_space<hbm>> -> memref<48x576xf32, #tpu.memory_space<hbm>>
    %dma_wait3A_1516 = tpu.memref_slice %arg6[%dma_wait3A_1508] : memref<2x!tpu.dma_semaphore, #tpu.memory_space<semaphore_mem>> -> memref<1x!tpu.dma_semaphore, #tpu.memory_space<semaphore_mem>>
    %dma_wait3A_1517 = tpu.memref_squeeze %dma_wait3A_1516 : memref<1x!tpu.dma_semaphore, #tpu.memory_space<semaphore_mem>> -> memref<!tpu.dma_semaphore, #tpu.memory_space<semaphore_mem>>
    %dma_wait3A_1518 = arith.constant 0 : i32
    %dma_wait3A_1519 = arith.constant 0 : i32
    %dma_wait3A_1520 = tpu.memref_slice %arg4[%dma_wait3A_1507, %dma_wait3A_1518, %dma_wait3A_1519] : memref<2x48x576xf32, #tpu.memory_space<vmem>> -> memref<1x48x576xf32, #tpu.memory_space<vmem>>
    %dma_wait3A_1521 = tpu.memref_squeeze %dma_wait3A_1520 : memref<1x48x576xf32, #tpu.memory_space<vmem>> -> memref<48x576xf32, #tpu.memory_space<vmem>>
    %dma_wait3A_1522 = arith.constant 0 : i32
    %dma_wait3A_1523 = tpu.memref_slice %arg2[%select_n3A_1488, %mul3A_1506, %dma_wait3A_1522] : memref<16x768x576xf32, #tpu.memory_space<hbm>> -> memref<1x48x576xf32, #tpu.memory_space<hbm>>
    %dma_wait3A_1524 = tpu.memref_squeeze %dma_wait3A_1523 : memref<1x48x576xf32, #tpu.memory_space<hbm>> -> memref<48x576xf32, #tpu.memory_space<hbm>>
    tpu.wait_dma2 semaphore(%dma_wait3A_1517 : memref<!tpu.dma_semaphore, #tpu.memory_space<semaphore_mem>>) src(%dma_wait3A_1524 : memref<48x576xf32, #tpu.memory_space<hbm>>) dst(%dma_wait3A_1521 : memref<48x576xf32, #tpu.memory_space<vmem>>)
    %mul3A_1525 = arith.constant 8 : i32
    %mul3A_1526 = arith.muli %add3A, %mul3A_1525 : i32
    %add3A_1527 = arith.constant 7 : i32
    %add3A_1528 = arith.addi %mul3A_1526, %add3A_1527 : i32
    %jit3A_1529 = arith.constant 16 : i32
    %div3A_1530 = arith.divsi %add3A_1528, %jit3A_1529 : i32
    %sign3A_1531 = arith.constant 0 : i32
    %sign3A_1532 = arith.cmpi sgt, %add3A_1528, %sign3A_1531 : i32
    %sign3A_1533 = arith.extui %sign3A_1532 : i1 to i32
    %sign3A_1534 = arith.constant 0 : i32
    %sign3A_1535 = arith.cmpi slt, %add3A_1528, %sign3A_1534 : i32
    %sign3A_1536 = arith.extui %sign3A_1535 : i1 to i32
    %sign3A_1537 = arith.subi %sign3A_1533, %sign3A_1536 : i32
    %sign3A_1538 = arith.constant 0 : i32
    %sign3A_1539 = arith.cmpi sgt, %jit3A_1529, %sign3A_1538 : i32
    %sign3A_1540 = arith.extui %sign3A_1539 : i1 to i32
    %sign3A_1541 = arith.constant 0 : i32
    %sign3A_1542 = arith.cmpi slt, %jit3A_1529, %sign3A_1541 : i32
    %sign3A_1543 = arith.extui %sign3A_1542 : i1 to i32
    %sign3A_1544 = arith.subi %sign3A_1540, %sign3A_1543 : i32
    %ne3A_1545 = arith.cmpi ne, %sign3A_1537, %sign3A_1544 : i32
    %rem3A_1546 = arith.remsi %add3A_1528, %jit3A_1529 : i32
    %ne3A_1547 = arith.constant 0 : i32
    %ne3A_1548 = arith.cmpi ne, %rem3A_1546, %ne3A_1547 : i32
    %and3A_1549 = arith.andi %ne3A_1545, %ne3A_1548 : i1
    %sub3A_1550 = arith.constant 1 : i32
    %sub3A_1551 = arith.subi %div3A_1530, %sub3A_1550 : i32
    %select_n3A_1552 = arith.select %and3A_1549, %sub3A_1551, %div3A_1530 : i32
    %jit3A_1553 = arith.constant 16 : i32
    %eq3A_1554 = arith.constant 0 : i32
    %eq3A_1555 = arith.cmpi eq, %jit3A_1553, %eq3A_1554 : i32
    %jit3A_1556 = arith.constant 1 : i32
    %select_n3A_1557 = arith.select %eq3A_1555, %jit3A_1556, %jit3A_1553 : i32
    %rem3A_1558 = arith.remsi %add3A_1528, %select_n3A_1557 : i32
    %ne3A_1559 = arith.constant 0 : i32
    %ne3A_1560 = arith.cmpi ne, %rem3A_1558, %ne3A_1559 : i32
    %lt3A_1561 = arith.constant 0 : i32
    %lt3A_1562 = arith.cmpi slt, %rem3A_1558, %lt3A_1561 : i32
    %lt3A_1563 = arith.constant 0 : i32
    %lt3A_1564 = arith.cmpi slt, %select_n3A_1557, %lt3A_1563 : i32
    %ne3A_1565 = arith.xori %lt3A_1562, %lt3A_1564 : i1
    %and3A_1566 = arith.andi %ne3A_1565, %ne3A_1560 : i1
    %add3A_1567 = arith.addi %rem3A_1558, %select_n3A_1557 : i32
    %select_n3A_1568 = arith.select %and3A_1566, %add3A_1567, %rem3A_1558 : i32
    %mul3A_1569 = arith.constant 48 : i32
    %mul3A_1570 = arith.muli %select_n3A_1568, %mul3A_1569 : i32
    %dma_start3A_1571 = arith.constant 1 : i32
    %dma_start3A_1572 = arith.constant 1 : i32
    %dma_start3A_1573 = arith.constant 0 : i32
    %dma_start3A_1574 = arith.constant 0 : i32
    %dma_start3A_1575 = tpu.memref_slice %arg4[%dma_start3A_1571, %dma_start3A_1573, %dma_start3A_1574] : memref<2x48x576xf32, #tpu.memory_space<vmem>> -> memref<1x48x576xf32, #tpu.memory_space<vmem>>
    %dma_start3A_1576 = tpu.memref_squeeze %dma_start3A_1575 : memref<1x48x576xf32, #tpu.memory_space<vmem>> -> memref<48x576xf32, #tpu.memory_space<vmem>>
    %dma_start3A_1577 = arith.constant 0 : i32
    %dma_start3A_1578 = tpu.memref_slice %arg2[%select_n3A_1552, %mul3A_1570, %dma_start3A_1577] : memref<16x768x576xf32, #tpu.memory_space<hbm>> -> memref<1x48x576xf32, #tpu.memory_space<hbm>>
    %dma_start3A_1579 = tpu.memref_squeeze %dma_start3A_1578 : memref<1x48x576xf32, #tpu.memory_space<hbm>> -> memref<48x576xf32, #tpu.memory_space<hbm>>
    %dma_start3A_1580 = tpu.memref_slice %arg6[%dma_start3A_1572] : memref<2x!tpu.dma_semaphore, #tpu.memory_space<semaphore_mem>> -> memref<1x!tpu.dma_semaphore, #tpu.memory_space<semaphore_mem>>
    %dma_start3A_1581 = tpu.memref_squeeze %dma_start3A_1580 : memref<1x!tpu.dma_semaphore, #tpu.memory_space<semaphore_mem>> -> memref<!tpu.dma_semaphore, #tpu.memory_space<semaphore_mem>>
    %dma_start3A_1582 = arith.constant 0 : i32
    %dma_start3A_1583 = arith.constant 0 : i32
    %dma_start3A_1584 = tpu.memref_slice %arg4[%dma_start3A_1571, %dma_start3A_1582, %dma_start3A_1583] : memref<2x48x576xf32, #tpu.memory_space<vmem>> -> memref<1x48x576xf32, #tpu.memory_space<vmem>>
    %dma_start3A_1585 = tpu.memref_squeeze %dma_start3A_1584 : memref<1x48x576xf32, #tpu.memory_space<vmem>> -> memref<48x576xf32, #tpu.memory_space<vmem>>
    %dma_start3A_1586 = arith.constant 0 : i32
    %dma_start3A_1587 = tpu.memref_slice %arg2[%select_n3A_1552, %mul3A_1570, %dma_start3A_1586] : memref<16x768x576xf32, #tpu.memory_space<hbm>> -> memref<1x48x576xf32, #tpu.memory_space<hbm>>
    %dma_start3A_1588 = tpu.memref_squeeze %dma_start3A_1587 : memref<1x48x576xf32, #tpu.memory_space<hbm>> -> memref<48x576xf32, #tpu.memory_space<hbm>>
    tpu.enqueue_dma source(%dma_start3A_1588 : memref<48x576xf32, #tpu.memory_space<hbm>>) target(%dma_start3A_1585 : memref<48x576xf32, #tpu.memory_space<vmem>>) target_semaphore(%dma_start3A_1581 : memref<!tpu.dma_semaphore, #tpu.memory_space<semaphore_mem>>)
    %mul3A_1589 = arith.constant 8 : i32
    %mul3A_1590 = arith.muli %add3A, %mul3A_1589 : i32
    %add3A_1591 = arith.constant 4 : i32
    %add3A_1592 = arith.addi %mul3A_1590, %add3A_1591 : i32
    %jit3A_1593 = arith.constant 16 : i32
    %div3A_1594 = arith.divsi %add3A_1592, %jit3A_1593 : i32
    %sign3A_1595 = arith.constant 0 : i32
    %sign3A_1596 = arith.cmpi sgt, %add3A_1592, %sign3A_1595 : i32
    %sign3A_1597 = arith.extui %sign3A_1596 : i1 to i32
    %sign3A_1598 = arith.constant 0 : i32
    %sign3A_1599 = arith.cmpi slt, %add3A_1592, %sign3A_1598 : i32
    %sign3A_1600 = arith.extui %sign3A_1599 : i1 to i32
    %sign3A_1601 = arith.subi %sign3A_1597, %sign3A_1600 : i32
    %sign3A_1602 = arith.constant 0 : i32
    %sign3A_1603 = arith.cmpi sgt, %jit3A_1593, %sign3A_1602 : i32
    %sign3A_1604 = arith.extui %sign3A_1603 : i1 to i32
    %sign3A_1605 = arith.constant 0 : i32
    %sign3A_1606 = arith.cmpi slt, %jit3A_1593, %sign3A_1605 : i32
    %sign3A_1607 = arith.extui %sign3A_1606 : i1 to i32
    %sign3A_1608 = arith.subi %sign3A_1604, %sign3A_1607 : i32
    %ne3A_1609 = arith.cmpi ne, %sign3A_1601, %sign3A_1608 : i32
    %rem3A_1610 = arith.remsi %add3A_1592, %jit3A_1593 : i32
    %ne3A_1611 = arith.constant 0 : i32
    %ne3A_1612 = arith.cmpi ne, %rem3A_1610, %ne3A_1611 : i32
    %and3A_1613 = arith.andi %ne3A_1609, %ne3A_1612 : i1
    %sub3A_1614 = arith.constant 1 : i32
    %sub3A_1615 = arith.subi %div3A_1594, %sub3A_1614 : i32
    %select_n3A_1616 = arith.select %and3A_1613, %sub3A_1615, %div3A_1594 : i32
    %jit3A_1617 = arith.constant 16 : i32
    %eq3A_1618 = arith.constant 0 : i32
    %eq3A_1619 = arith.cmpi eq, %jit3A_1617, %eq3A_1618 : i32
    %jit3A_1620 = arith.constant 1 : i32
    %select_n3A_1621 = arith.select %eq3A_1619, %jit3A_1620, %jit3A_1617 : i32
    %rem3A_1622 = arith.remsi %add3A_1592, %select_n3A_1621 : i32
    %ne3A_1623 = arith.constant 0 : i32
    %ne3A_1624 = arith.cmpi ne, %rem3A_1622, %ne3A_1623 : i32
    %lt3A_1625 = arith.constant 0 : i32
    %lt3A_1626 = arith.cmpi slt, %rem3A_1622, %lt3A_1625 : i32
    %lt3A_1627 = arith.constant 0 : i32
    %lt3A_1628 = arith.cmpi slt, %select_n3A_1621, %lt3A_1627 : i32
    %ne3A_1629 = arith.xori %lt3A_1626, %lt3A_1628 : i1
    %and3A_1630 = arith.andi %ne3A_1629, %ne3A_1624 : i1
    %add3A_1631 = arith.addi %rem3A_1622, %select_n3A_1621 : i32
    %select_n3A_1632 = arith.select %and3A_1630, %add3A_1631, %rem3A_1622 : i32
    %mul3A_1633 = arith.constant 48 : i32
    %mul3A_1634 = arith.muli %select_n3A_1632, %mul3A_1633 : i32
    %dma_wait3A_1635 = arith.constant 0 : i32
    %dma_wait3A_1636 = arith.constant 0 : i32
    %dma_wait3A_1637 = arith.constant 0 : i32
    %dma_wait3A_1638 = arith.constant 0 : i32
    %dma_wait3A_1639 = tpu.memref_slice %arg5[%dma_wait3A_1635, %dma_wait3A_1637, %dma_wait3A_1638] : memref<2x576x48xf32, #tpu.memory_space<vmem>> -> memref<1x576x48xf32, #tpu.memory_space<vmem>>
    %dma_wait3A_1640 = tpu.memref_squeeze %dma_wait3A_1639 : memref<1x576x48xf32, #tpu.memory_space<vmem>> -> memref<576x48xf32, #tpu.memory_space<vmem>>
    %dma_wait3A_1641 = arith.constant 0 : i32
    %dma_wait3A_1642 = tpu.memref_slice %arg3[%select_n3A_1616, %dma_wait3A_1641, %mul3A_1634] : memref<16x576x768xf32, #tpu.memory_space<hbm>> -> memref<1x576x48xf32, #tpu.memory_space<hbm>>
    %dma_wait3A_1643 = tpu.memref_squeeze %dma_wait3A_1642 : memref<1x576x48xf32, #tpu.memory_space<hbm>> -> memref<576x48xf32, #tpu.memory_space<hbm>>
    %dma_wait3A_1644 = tpu.memref_slice %arg7[%dma_wait3A_1636] : memref<2x!tpu.dma_semaphore, #tpu.memory_space<semaphore_mem>> -> memref<1x!tpu.dma_semaphore, #tpu.memory_space<semaphore_mem>>
    %dma_wait3A_1645 = tpu.memref_squeeze %dma_wait3A_1644 : memref<1x!tpu.dma_semaphore, #tpu.memory_space<semaphore_mem>> -> memref<!tpu.dma_semaphore, #tpu.memory_space<semaphore_mem>>
    %dma_wait3A_1646 = arith.constant 0 : i32
    %dma_wait3A_1647 = tpu.memref_slice %arg3[%select_n3A_1616, %dma_wait3A_1646, %mul3A_1634] : memref<16x576x768xf32, #tpu.memory_space<hbm>> -> memref<1x576x48xf32, #tpu.memory_space<hbm>>
    %dma_wait3A_1648 = tpu.memref_squeeze %dma_wait3A_1647 : memref<1x576x48xf32, #tpu.memory_space<hbm>> -> memref<576x48xf32, #tpu.memory_space<hbm>>
    %dma_wait3A_1649 = arith.constant 0 : i32
    %dma_wait3A_1650 = arith.constant 0 : i32
    %dma_wait3A_1651 = tpu.memref_slice %arg5[%dma_wait3A_1635, %dma_wait3A_1649, %dma_wait3A_1650] : memref<2x576x48xf32, #tpu.memory_space<vmem>> -> memref<1x576x48xf32, #tpu.memory_space<vmem>>
    %dma_wait3A_1652 = tpu.memref_squeeze %dma_wait3A_1651 : memref<1x576x48xf32, #tpu.memory_space<vmem>> -> memref<576x48xf32, #tpu.memory_space<vmem>>
    tpu.wait_dma2 semaphore(%dma_wait3A_1645 : memref<!tpu.dma_semaphore, #tpu.memory_space<semaphore_mem>>) src(%dma_wait3A_1652 : memref<576x48xf32, #tpu.memory_space<vmem>>) dst(%dma_wait3A_1648 : memref<576x48xf32, #tpu.memory_space<hbm>>)
    %mul3A_1653 = arith.constant 8 : i32
    %mul3A_1654 = arith.muli %add3A, %mul3A_1653 : i32
    %add3A_1655 = arith.constant 6 : i32
    %add3A_1656 = arith.addi %mul3A_1654, %add3A_1655 : i32
    %jit3A_1657 = arith.constant 16 : i32
    %div3A_1658 = arith.divsi %add3A_1656, %jit3A_1657 : i32
    %sign3A_1659 = arith.constant 0 : i32
    %sign3A_1660 = arith.cmpi sgt, %add3A_1656, %sign3A_1659 : i32
    %sign3A_1661 = arith.extui %sign3A_1660 : i1 to i32
    %sign3A_1662 = arith.constant 0 : i32
    %sign3A_1663 = arith.cmpi slt, %add3A_1656, %sign3A_1662 : i32
    %sign3A_1664 = arith.extui %sign3A_1663 : i1 to i32
    %sign3A_1665 = arith.subi %sign3A_1661, %sign3A_1664 : i32
    %sign3A_1666 = arith.constant 0 : i32
    %sign3A_1667 = arith.cmpi sgt, %jit3A_1657, %sign3A_1666 : i32
    %sign3A_1668 = arith.extui %sign3A_1667 : i1 to i32
    %sign3A_1669 = arith.constant 0 : i32
    %sign3A_1670 = arith.cmpi slt, %jit3A_1657, %sign3A_1669 : i32
    %sign3A_1671 = arith.extui %sign3A_1670 : i1 to i32
    %sign3A_1672 = arith.subi %sign3A_1668, %sign3A_1671 : i32
    %ne3A_1673 = arith.cmpi ne, %sign3A_1665, %sign3A_1672 : i32
    %rem3A_1674 = arith.remsi %add3A_1656, %jit3A_1657 : i32
    %ne3A_1675 = arith.constant 0 : i32
    %ne3A_1676 = arith.cmpi ne, %rem3A_1674, %ne3A_1675 : i32
    %and3A_1677 = arith.andi %ne3A_1673, %ne3A_1676 : i1
    %sub3A_1678 = arith.constant 1 : i32
    %sub3A_1679 = arith.subi %div3A_1658, %sub3A_1678 : i32
    %select_n3A_1680 = arith.select %and3A_1677, %sub3A_1679, %div3A_1658 : i32
    %jit3A_1681 = arith.constant 16 : i32
    %eq3A_1682 = arith.constant 0 : i32
    %eq3A_1683 = arith.cmpi eq, %jit3A_1681, %eq3A_1682 : i32
    %jit3A_1684 = arith.constant 1 : i32
    %select_n3A_1685 = arith.select %eq3A_1683, %jit3A_1684, %jit3A_1681 : i32
    %rem3A_1686 = arith.remsi %add3A_1656, %select_n3A_1685 : i32
    %ne3A_1687 = arith.constant 0 : i32
    %ne3A_1688 = arith.cmpi ne, %rem3A_1686, %ne3A_1687 : i32
    %lt3A_1689 = arith.constant 0 : i32
    %lt3A_1690 = arith.cmpi slt, %rem3A_1686, %lt3A_1689 : i32
    %lt3A_1691 = arith.constant 0 : i32
    %lt3A_1692 = arith.cmpi slt, %select_n3A_1685, %lt3A_1691 : i32
    %ne3A_1693 = arith.xori %lt3A_1690, %lt3A_1692 : i1
    %and3A_1694 = arith.andi %ne3A_1693, %ne3A_1688 : i1
    %add3A_1695 = arith.addi %rem3A_1686, %select_n3A_1685 : i32
    %select_n3A_1696 = arith.select %and3A_1694, %add3A_1695, %rem3A_1686 : i32
    %mul3A_1697 = arith.constant 48 : i32
    %mul3A_1698 = arith.muli %select_n3A_1696, %mul3A_1697 : i32
    %dma_start3A_1699 = arith.constant 0 : i32
    %dma_start3A_1700 = arith.constant 0 : i32
    %dma_start3A_1701 = arith.constant 0 : i32
    %dma_start3A_1702 = arith.constant 0 : i32
    %dma_start3A_1703 = tpu.memref_slice %arg5[%dma_start3A_1699, %dma_start3A_1701, %dma_start3A_1702] : memref<2x576x48xf32, #tpu.memory_space<vmem>> -> memref<1x576x48xf32, #tpu.memory_space<vmem>>
    %dma_start3A_1704 = tpu.memref_squeeze %dma_start3A_1703 : memref<1x576x48xf32, #tpu.memory_space<vmem>> -> memref<576x48xf32, #tpu.memory_space<vmem>>
    %dma_start3A_1705 = arith.constant 0 : i32
    %dma_start3A_1706 = tpu.memref_slice %arg3[%select_n3A_1680, %dma_start3A_1705, %mul3A_1698] : memref<16x576x768xf32, #tpu.memory_space<hbm>> -> memref<1x576x48xf32, #tpu.memory_space<hbm>>
    %dma_start3A_1707 = tpu.memref_squeeze %dma_start3A_1706 : memref<1x576x48xf32, #tpu.memory_space<hbm>> -> memref<576x48xf32, #tpu.memory_space<hbm>>
    %dma_start3A_1708 = tpu.memref_slice %arg7[%dma_start3A_1700] : memref<2x!tpu.dma_semaphore, #tpu.memory_space<semaphore_mem>> -> memref<1x!tpu.dma_semaphore, #tpu.memory_space<semaphore_mem>>
    %dma_start3A_1709 = tpu.memref_squeeze %dma_start3A_1708 : memref<1x!tpu.dma_semaphore, #tpu.memory_space<semaphore_mem>> -> memref<!tpu.dma_semaphore, #tpu.memory_space<semaphore_mem>>
    %dma_start3A_1710 = arith.constant 0 : i32
    %dma_start3A_1711 = tpu.memref_slice %arg3[%select_n3A_1680, %dma_start3A_1710, %mul3A_1698] : memref<16x576x768xf32, #tpu.memory_space<hbm>> -> memref<1x576x48xf32, #tpu.memory_space<hbm>>
    %dma_start3A_1712 = tpu.memref_squeeze %dma_start3A_1711 : memref<1x576x48xf32, #tpu.memory_space<hbm>> -> memref<576x48xf32, #tpu.memory_space<hbm>>
    %dma_start3A_1713 = arith.constant 0 : i32
    %dma_start3A_1714 = arith.constant 0 : i32
    %dma_start3A_1715 = tpu.memref_slice %arg5[%dma_start3A_1699, %dma_start3A_1713, %dma_start3A_1714] : memref<2x576x48xf32, #tpu.memory_space<vmem>> -> memref<1x576x48xf32, #tpu.memory_space<vmem>>
    %dma_start3A_1716 = tpu.memref_squeeze %dma_start3A_1715 : memref<1x576x48xf32, #tpu.memory_space<vmem>> -> memref<576x48xf32, #tpu.memory_space<vmem>>
    tpu.enqueue_dma source(%dma_start3A_1716 : memref<576x48xf32, #tpu.memory_space<vmem>>) target(%dma_start3A_1712 : memref<576x48xf32, #tpu.memory_space<hbm>>) target_semaphore(%dma_start3A_1709 : memref<!tpu.dma_semaphore, #tpu.memory_space<semaphore_mem>>)
    %mul3A_1717 = arith.constant 8 : i32
    %mul3A_1718 = arith.muli %add3A, %mul3A_1717 : i32
    %add3A_1719 = arith.constant 7 : i32
    %add3A_1720 = arith.addi %mul3A_1718, %add3A_1719 : i32
    %jit3A_1721 = arith.constant 16 : i32
    %div3A_1722 = arith.divsi %add3A_1720, %jit3A_1721 : i32
    %sign3A_1723 = arith.constant 0 : i32
    %sign3A_1724 = arith.cmpi sgt, %add3A_1720, %sign3A_1723 : i32
    %sign3A_1725 = arith.extui %sign3A_1724 : i1 to i32
    %sign3A_1726 = arith.constant 0 : i32
    %sign3A_1727 = arith.cmpi slt, %add3A_1720, %sign3A_1726 : i32
    %sign3A_1728 = arith.extui %sign3A_1727 : i1 to i32
    %sign3A_1729 = arith.subi %sign3A_1725, %sign3A_1728 : i32
    %sign3A_1730 = arith.constant 0 : i32
    %sign3A_1731 = arith.cmpi sgt, %jit3A_1721, %sign3A_1730 : i32
    %sign3A_1732 = arith.extui %sign3A_1731 : i1 to i32
    %sign3A_1733 = arith.constant 0 : i32
    %sign3A_1734 = arith.cmpi slt, %jit3A_1721, %sign3A_1733 : i32
    %sign3A_1735 = arith.extui %sign3A_1734 : i1 to i32
    %sign3A_1736 = arith.subi %sign3A_1732, %sign3A_1735 : i32
    %ne3A_1737 = arith.cmpi ne, %sign3A_1729, %sign3A_1736 : i32
    %rem3A_1738 = arith.remsi %add3A_1720, %jit3A_1721 : i32
    %ne3A_1739 = arith.constant 0 : i32
    %ne3A_1740 = arith.cmpi ne, %rem3A_1738, %ne3A_1739 : i32
    %and3A_1741 = arith.andi %ne3A_1737, %ne3A_1740 : i1
    %sub3A_1742 = arith.constant 1 : i32
    %sub3A_1743 = arith.subi %div3A_1722, %sub3A_1742 : i32
    %select_n3A_1744 = arith.select %and3A_1741, %sub3A_1743, %div3A_1722 : i32
    %jit3A_1745 = arith.constant 16 : i32
    %eq3A_1746 = arith.constant 0 : i32
    %eq3A_1747 = arith.cmpi eq, %jit3A_1745, %eq3A_1746 : i32
    %jit3A_1748 = arith.constant 1 : i32
    %select_n3A_1749 = arith.select %eq3A_1747, %jit3A_1748, %jit3A_1745 : i32
    %rem3A_1750 = arith.remsi %add3A_1720, %select_n3A_1749 : i32
    %ne3A_1751 = arith.constant 0 : i32
    %ne3A_1752 = arith.cmpi ne, %rem3A_1750, %ne3A_1751 : i32
    %lt3A_1753 = arith.constant 0 : i32
    %lt3A_1754 = arith.cmpi slt, %rem3A_1750, %lt3A_1753 : i32
    %lt3A_1755 = arith.constant 0 : i32
    %lt3A_1756 = arith.cmpi slt, %select_n3A_1749, %lt3A_1755 : i32
    %ne3A_1757 = arith.xori %lt3A_1754, %lt3A_1756 : i1
    %and3A_1758 = arith.andi %ne3A_1757, %ne3A_1752 : i1
    %add3A_1759 = arith.addi %rem3A_1750, %select_n3A_1749 : i32
    %select_n3A_1760 = arith.select %and3A_1758, %add3A_1759, %rem3A_1750 : i32
    %mul3A_1761 = arith.constant 48 : i32
    %mul3A_1762 = arith.muli %select_n3A_1760, %mul3A_1761 : i32
    %dma_wait3A_1763 = arith.constant 1 : i32
    %dma_wait3A_1764 = arith.constant 1 : i32
    %dma_wait3A_1765 = arith.constant 0 : i32
    %dma_wait3A_1766 = arith.constant 0 : i32
    %dma_wait3A_1767 = tpu.memref_slice %arg4[%dma_wait3A_1763, %dma_wait3A_1765, %dma_wait3A_1766] : memref<2x48x576xf32, #tpu.memory_space<vmem>> -> memref<1x48x576xf32, #tpu.memory_space<vmem>>
    %dma_wait3A_1768 = tpu.memref_squeeze %dma_wait3A_1767 : memref<1x48x576xf32, #tpu.memory_space<vmem>> -> memref<48x576xf32, #tpu.memory_space<vmem>>
    %dma_wait3A_1769 = arith.constant 0 : i32
    %dma_wait3A_1770 = tpu.memref_slice %arg2[%select_n3A_1744, %mul3A_1762, %dma_wait3A_1769] : memref<16x768x576xf32, #tpu.memory_space<hbm>> -> memref<1x48x576xf32, #tpu.memory_space<hbm>>
    %dma_wait3A_1771 = tpu.memref_squeeze %dma_wait3A_1770 : memref<1x48x576xf32, #tpu.memory_space<hbm>> -> memref<48x576xf32, #tpu.memory_space<hbm>>
    %dma_wait3A_1772 = tpu.memref_slice %arg6[%dma_wait3A_1764] : memref<2x!tpu.dma_semaphore, #tpu.memory_space<semaphore_mem>> -> memref<1x!tpu.dma_semaphore, #tpu.memory_space<semaphore_mem>>
    %dma_wait3A_1773 = tpu.memref_squeeze %dma_wait3A_1772 : memref<1x!tpu.dma_semaphore, #tpu.memory_space<semaphore_mem>> -> memref<!tpu.dma_semaphore, #tpu.memory_space<semaphore_mem>>
    %dma_wait3A_1774 = arith.constant 0 : i32
    %dma_wait3A_1775 = arith.constant 0 : i32
    %dma_wait3A_1776 = tpu.memref_slice %arg4[%dma_wait3A_1763, %dma_wait3A_1774, %dma_wait3A_1775] : memref<2x48x576xf32, #tpu.memory_space<vmem>> -> memref<1x48x576xf32, #tpu.memory_space<vmem>>
    %dma_wait3A_1777 = tpu.memref_squeeze %dma_wait3A_1776 : memref<1x48x576xf32, #tpu.memory_space<vmem>> -> memref<48x576xf32, #tpu.memory_space<vmem>>
    %dma_wait3A_1778 = arith.constant 0 : i32
    %dma_wait3A_1779 = tpu.memref_slice %arg2[%select_n3A_1744, %mul3A_1762, %dma_wait3A_1778] : memref<16x768x576xf32, #tpu.memory_space<hbm>> -> memref<1x48x576xf32, #tpu.memory_space<hbm>>
    %dma_wait3A_1780 = tpu.memref_squeeze %dma_wait3A_1779 : memref<1x48x576xf32, #tpu.memory_space<hbm>> -> memref<48x576xf32, #tpu.memory_space<hbm>>
    tpu.wait_dma2 semaphore(%dma_wait3A_1773 : memref<!tpu.dma_semaphore, #tpu.memory_space<semaphore_mem>>) src(%dma_wait3A_1780 : memref<48x576xf32, #tpu.memory_space<hbm>>) dst(%dma_wait3A_1777 : memref<48x576xf32, #tpu.memory_space<vmem>>)
    %mul3A_1781 = arith.constant 8 : i32
    %mul3A_1782 = arith.muli %add3A, %mul3A_1781 : i32
    %add3A_1783 = arith.constant 5 : i32
    %add3A_1784 = arith.addi %mul3A_1782, %add3A_1783 : i32
    %jit3A_1785 = arith.constant 16 : i32
    %div3A_1786 = arith.divsi %add3A_1784, %jit3A_1785 : i32
    %sign3A_1787 = arith.constant 0 : i32
    %sign3A_1788 = arith.cmpi sgt, %add3A_1784, %sign3A_1787 : i32
    %sign3A_1789 = arith.extui %sign3A_1788 : i1 to i32
    %sign3A_1790 = arith.constant 0 : i32
    %sign3A_1791 = arith.cmpi slt, %add3A_1784, %sign3A_1790 : i32
    %sign3A_1792 = arith.extui %sign3A_1791 : i1 to i32
    %sign3A_1793 = arith.subi %sign3A_1789, %sign3A_1792 : i32
    %sign3A_1794 = arith.constant 0 : i32
    %sign3A_1795 = arith.cmpi sgt, %jit3A_1785, %sign3A_1794 : i32
    %sign3A_1796 = arith.extui %sign3A_1795 : i1 to i32
    %sign3A_1797 = arith.constant 0 : i32
    %sign3A_1798 = arith.cmpi slt, %jit3A_1785, %sign3A_1797 : i32
    %sign3A_1799 = arith.extui %sign3A_1798 : i1 to i32
    %sign3A_1800 = arith.subi %sign3A_1796, %sign3A_1799 : i32
    %ne3A_1801 = arith.cmpi ne, %sign3A_1793, %sign3A_1800 : i32
    %rem3A_1802 = arith.remsi %add3A_1784, %jit3A_1785 : i32
    %ne3A_1803 = arith.constant 0 : i32
    %ne3A_1804 = arith.cmpi ne, %rem3A_1802, %ne3A_1803 : i32
    %and3A_1805 = arith.andi %ne3A_1801, %ne3A_1804 : i1
    %sub3A_1806 = arith.constant 1 : i32
    %sub3A_1807 = arith.subi %div3A_1786, %sub3A_1806 : i32
    %select_n3A_1808 = arith.select %and3A_1805, %sub3A_1807, %div3A_1786 : i32
    %jit3A_1809 = arith.constant 16 : i32
    %eq3A_1810 = arith.constant 0 : i32
    %eq3A_1811 = arith.cmpi eq, %jit3A_1809, %eq3A_1810 : i32
    %jit3A_1812 = arith.constant 1 : i32
    %select_n3A_1813 = arith.select %eq3A_1811, %jit3A_1812, %jit3A_1809 : i32
    %rem3A_1814 = arith.remsi %add3A_1784, %select_n3A_1813 : i32
    %ne3A_1815 = arith.constant 0 : i32
    %ne3A_1816 = arith.cmpi ne, %rem3A_1814, %ne3A_1815 : i32
    %lt3A_1817 = arith.constant 0 : i32
    %lt3A_1818 = arith.cmpi slt, %rem3A_1814, %lt3A_1817 : i32
    %lt3A_1819 = arith.constant 0 : i32
    %lt3A_1820 = arith.cmpi slt, %select_n3A_1813, %lt3A_1819 : i32
    %ne3A_1821 = arith.xori %lt3A_1818, %lt3A_1820 : i1
    %and3A_1822 = arith.andi %ne3A_1821, %ne3A_1816 : i1
    %add3A_1823 = arith.addi %rem3A_1814, %select_n3A_1813 : i32
    %select_n3A_1824 = arith.select %and3A_1822, %add3A_1823, %rem3A_1814 : i32
    %mul3A_1825 = arith.constant 48 : i32
    %mul3A_1826 = arith.muli %select_n3A_1824, %mul3A_1825 : i32
    %dma_wait3A_1827 = arith.constant 1 : i32
    %dma_wait3A_1828 = arith.constant 1 : i32
    %dma_wait3A_1829 = arith.constant 0 : i32
    %dma_wait3A_1830 = arith.constant 0 : i32
    %dma_wait3A_1831 = tpu.memref_slice %arg5[%dma_wait3A_1827, %dma_wait3A_1829, %dma_wait3A_1830] : memref<2x576x48xf32, #tpu.memory_space<vmem>> -> memref<1x576x48xf32, #tpu.memory_space<vmem>>
    %dma_wait3A_1832 = tpu.memref_squeeze %dma_wait3A_1831 : memref<1x576x48xf32, #tpu.memory_space<vmem>> -> memref<576x48xf32, #tpu.memory_space<vmem>>
    %dma_wait3A_1833 = arith.constant 0 : i32
    %dma_wait3A_1834 = tpu.memref_slice %arg3[%select_n3A_1808, %dma_wait3A_1833, %mul3A_1826] : memref<16x576x768xf32, #tpu.memory_space<hbm>> -> memref<1x576x48xf32, #tpu.memory_space<hbm>>
    %dma_wait3A_1835 = tpu.memref_squeeze %dma_wait3A_1834 : memref<1x576x48xf32, #tpu.memory_space<hbm>> -> memref<576x48xf32, #tpu.memory_space<hbm>>
    %dma_wait3A_1836 = tpu.memref_slice %arg7[%dma_wait3A_1828] : memref<2x!tpu.dma_semaphore, #tpu.memory_space<semaphore_mem>> -> memref<1x!tpu.dma_semaphore, #tpu.memory_space<semaphore_mem>>
    %dma_wait3A_1837 = tpu.memref_squeeze %dma_wait3A_1836 : memref<1x!tpu.dma_semaphore, #tpu.memory_space<semaphore_mem>> -> memref<!tpu.dma_semaphore, #tpu.memory_space<semaphore_mem>>
    %dma_wait3A_1838 = arith.constant 0 : i32
    %dma_wait3A_1839 = tpu.memref_slice %arg3[%select_n3A_1808, %dma_wait3A_1838, %mul3A_1826] : memref<16x576x768xf32, #tpu.memory_space<hbm>> -> memref<1x576x48xf32, #tpu.memory_space<hbm>>
    %dma_wait3A_1840 = tpu.memref_squeeze %dma_wait3A_1839 : memref<1x576x48xf32, #tpu.memory_space<hbm>> -> memref<576x48xf32, #tpu.memory_space<hbm>>
    %dma_wait3A_1841 = arith.constant 0 : i32
    %dma_wait3A_1842 = arith.constant 0 : i32
    %dma_wait3A_1843 = tpu.memref_slice %arg5[%dma_wait3A_1827, %dma_wait3A_1841, %dma_wait3A_1842] : memref<2x576x48xf32, #tpu.memory_space<vmem>> -> memref<1x576x48xf32, #tpu.memory_space<vmem>>
    %dma_wait3A_1844 = tpu.memref_squeeze %dma_wait3A_1843 : memref<1x576x48xf32, #tpu.memory_space<vmem>> -> memref<576x48xf32, #tpu.memory_space<vmem>>
    tpu.wait_dma2 semaphore(%dma_wait3A_1837 : memref<!tpu.dma_semaphore, #tpu.memory_space<semaphore_mem>>) src(%dma_wait3A_1844 : memref<576x48xf32, #tpu.memory_space<vmem>>) dst(%dma_wait3A_1840 : memref<576x48xf32, #tpu.memory_space<hbm>>)
    %mul3A_1845 = arith.constant 8 : i32
    %mul3A_1846 = arith.muli %add3A, %mul3A_1845 : i32
    %add3A_1847 = arith.constant 7 : i32
    %add3A_1848 = arith.addi %mul3A_1846, %add3A_1847 : i32
    %jit3A_1849 = arith.constant 16 : i32
    %div3A_1850 = arith.divsi %add3A_1848, %jit3A_1849 : i32
    %sign3A_1851 = arith.constant 0 : i32
    %sign3A_1852 = arith.cmpi sgt, %add3A_1848, %sign3A_1851 : i32
    %sign3A_1853 = arith.extui %sign3A_1852 : i1 to i32
    %sign3A_1854 = arith.constant 0 : i32
    %sign3A_1855 = arith.cmpi slt, %add3A_1848, %sign3A_1854 : i32
    %sign3A_1856 = arith.extui %sign3A_1855 : i1 to i32
    %sign3A_1857 = arith.subi %sign3A_1853, %sign3A_1856 : i32
    %sign3A_1858 = arith.constant 0 : i32
    %sign3A_1859 = arith.cmpi sgt, %jit3A_1849, %sign3A_1858 : i32
    %sign3A_1860 = arith.extui %sign3A_1859 : i1 to i32
    %sign3A_1861 = arith.constant 0 : i32
    %sign3A_1862 = arith.cmpi slt, %jit3A_1849, %sign3A_1861 : i32
    %sign3A_1863 = arith.extui %sign3A_1862 : i1 to i32
    %sign3A_1864 = arith.subi %sign3A_1860, %sign3A_1863 : i32
    %ne3A_1865 = arith.cmpi ne, %sign3A_1857, %sign3A_1864 : i32
    %rem3A_1866 = arith.remsi %add3A_1848, %jit3A_1849 : i32
    %ne3A_1867 = arith.constant 0 : i32
    %ne3A_1868 = arith.cmpi ne, %rem3A_1866, %ne3A_1867 : i32
    %and3A_1869 = arith.andi %ne3A_1865, %ne3A_1868 : i1
    %sub3A_1870 = arith.constant 1 : i32
    %sub3A_1871 = arith.subi %div3A_1850, %sub3A_1870 : i32
    %select_n3A_1872 = arith.select %and3A_1869, %sub3A_1871, %div3A_1850 : i32
    %jit3A_1873 = arith.constant 16 : i32
    %eq3A_1874 = arith.constant 0 : i32
    %eq3A_1875 = arith.cmpi eq, %jit3A_1873, %eq3A_1874 : i32
    %jit3A_1876 = arith.constant 1 : i32
    %select_n3A_1877 = arith.select %eq3A_1875, %jit3A_1876, %jit3A_1873 : i32
    %rem3A_1878 = arith.remsi %add3A_1848, %select_n3A_1877 : i32
    %ne3A_1879 = arith.constant 0 : i32
    %ne3A_1880 = arith.cmpi ne, %rem3A_1878, %ne3A_1879 : i32
    %lt3A_1881 = arith.constant 0 : i32
    %lt3A_1882 = arith.cmpi slt, %rem3A_1878, %lt3A_1881 : i32
    %lt3A_1883 = arith.constant 0 : i32
    %lt3A_1884 = arith.cmpi slt, %select_n3A_1877, %lt3A_1883 : i32
    %ne3A_1885 = arith.xori %lt3A_1882, %lt3A_1884 : i1
    %and3A_1886 = arith.andi %ne3A_1885, %ne3A_1880 : i1
    %add3A_1887 = arith.addi %rem3A_1878, %select_n3A_1877 : i32
    %select_n3A_1888 = arith.select %and3A_1886, %add3A_1887, %rem3A_1878 : i32
    %mul3A_1889 = arith.constant 48 : i32
    %mul3A_1890 = arith.muli %select_n3A_1888, %mul3A_1889 : i32
    %dma_start3A_1891 = arith.constant 1 : i32
    %dma_start3A_1892 = arith.constant 1 : i32
    %dma_start3A_1893 = arith.constant 0 : i32
    %dma_start3A_1894 = arith.constant 0 : i32
    %dma_start3A_1895 = tpu.memref_slice %arg5[%dma_start3A_1891, %dma_start3A_1893, %dma_start3A_1894] : memref<2x576x48xf32, #tpu.memory_space<vmem>> -> memref<1x576x48xf32, #tpu.memory_space<vmem>>
    %dma_start3A_1896 = tpu.memref_squeeze %dma_start3A_1895 : memref<1x576x48xf32, #tpu.memory_space<vmem>> -> memref<576x48xf32, #tpu.memory_space<vmem>>
    %dma_start3A_1897 = arith.constant 0 : i32
    %dma_start3A_1898 = tpu.memref_slice %arg3[%select_n3A_1872, %dma_start3A_1897, %mul3A_1890] : memref<16x576x768xf32, #tpu.memory_space<hbm>> -> memref<1x576x48xf32, #tpu.memory_space<hbm>>
    %dma_start3A_1899 = tpu.memref_squeeze %dma_start3A_1898 : memref<1x576x48xf32, #tpu.memory_space<hbm>> -> memref<576x48xf32, #tpu.memory_space<hbm>>
    %dma_start3A_1900 = tpu.memref_slice %arg7[%dma_start3A_1892] : memref<2x!tpu.dma_semaphore, #tpu.memory_space<semaphore_mem>> -> memref<1x!tpu.dma_semaphore, #tpu.memory_space<semaphore_mem>>
    %dma_start3A_1901 = tpu.memref_squeeze %dma_start3A_1900 : memref<1x!tpu.dma_semaphore, #tpu.memory_space<semaphore_mem>> -> memref<!tpu.dma_semaphore, #tpu.memory_space<semaphore_mem>>
    %dma_start3A_1902 = arith.constant 0 : i32
    %dma_start3A_1903 = tpu.memref_slice %arg3[%select_n3A_1872, %dma_start3A_1902, %mul3A_1890] : memref<16x576x768xf32, #tpu.memory_space<hbm>> -> memref<1x576x48xf32, #tpu.memory_space<hbm>>
    %dma_start3A_1904 = tpu.memref_squeeze %dma_start3A_1903 : memref<1x576x48xf32, #tpu.memory_space<hbm>> -> memref<576x48xf32, #tpu.memory_space<hbm>>
    %dma_start3A_1905 = arith.constant 0 : i32
    %dma_start3A_1906 = arith.constant 0 : i32
    %dma_start3A_1907 = tpu.memref_slice %arg5[%dma_start3A_1891, %dma_start3A_1905, %dma_start3A_1906] : memref<2x576x48xf32, #tpu.memory_space<vmem>> -> memref<1x576x48xf32, #tpu.memory_space<vmem>>
    %dma_start3A_1908 = tpu.memref_squeeze %dma_start3A_1907 : memref<1x576x48xf32, #tpu.memory_space<vmem>> -> memref<576x48xf32, #tpu.memory_space<vmem>>
    tpu.enqueue_dma source(%dma_start3A_1908 : memref<576x48xf32, #tpu.memory_space<vmem>>) target(%dma_start3A_1904 : memref<576x48xf32, #tpu.memory_space<hbm>>) target_semaphore(%dma_start3A_1901 : memref<!tpu.dma_semaphore, #tpu.memory_space<semaphore_mem>>)
    %mul3A_1909 = arith.constant 8 : i32
    %mul3A_1910 = arith.muli %add3A, %mul3A_1909 : i32
    %add3A_1911 = arith.constant 6 : i32
    %add3A_1912 = arith.addi %mul3A_1910, %add3A_1911 : i32
    %jit3A_1913 = arith.constant 16 : i32
    %div3A_1914 = arith.divsi %add3A_1912, %jit3A_1913 : i32
    %sign3A_1915 = arith.constant 0 : i32
    %sign3A_1916 = arith.cmpi sgt, %add3A_1912, %sign3A_1915 : i32
    %sign3A_1917 = arith.extui %sign3A_1916 : i1 to i32
    %sign3A_1918 = arith.constant 0 : i32
    %sign3A_1919 = arith.cmpi slt, %add3A_1912, %sign3A_1918 : i32
    %sign3A_1920 = arith.extui %sign3A_1919 : i1 to i32
    %sign3A_1921 = arith.subi %sign3A_1917, %sign3A_1920 : i32
    %sign3A_1922 = arith.constant 0 : i32
    %sign3A_1923 = arith.cmpi sgt, %jit3A_1913, %sign3A_1922 : i32
    %sign3A_1924 = arith.extui %sign3A_1923 : i1 to i32
    %sign3A_1925 = arith.constant 0 : i32
    %sign3A_1926 = arith.cmpi slt, %jit3A_1913, %sign3A_1925 : i32
    %sign3A_1927 = arith.extui %sign3A_1926 : i1 to i32
    %sign3A_1928 = arith.subi %sign3A_1924, %sign3A_1927 : i32
    %ne3A_1929 = arith.cmpi ne, %sign3A_1921, %sign3A_1928 : i32
    %rem3A_1930 = arith.remsi %add3A_1912, %jit3A_1913 : i32
    %ne3A_1931 = arith.constant 0 : i32
    %ne3A_1932 = arith.cmpi ne, %rem3A_1930, %ne3A_1931 : i32
    %and3A_1933 = arith.andi %ne3A_1929, %ne3A_1932 : i1
    %sub3A_1934 = arith.constant 1 : i32
    %sub3A_1935 = arith.subi %div3A_1914, %sub3A_1934 : i32
    %select_n3A_1936 = arith.select %and3A_1933, %sub3A_1935, %div3A_1914 : i32
    %jit3A_1937 = arith.constant 16 : i32
    %eq3A_1938 = arith.constant 0 : i32
    %eq3A_1939 = arith.cmpi eq, %jit3A_1937, %eq3A_1938 : i32
    %jit3A_1940 = arith.constant 1 : i32
    %select_n3A_1941 = arith.select %eq3A_1939, %jit3A_1940, %jit3A_1937 : i32
    %rem3A_1942 = arith.remsi %add3A_1912, %select_n3A_1941 : i32
    %ne3A_1943 = arith.constant 0 : i32
    %ne3A_1944 = arith.cmpi ne, %rem3A_1942, %ne3A_1943 : i32
    %lt3A_1945 = arith.constant 0 : i32
    %lt3A_1946 = arith.cmpi slt, %rem3A_1942, %lt3A_1945 : i32
    %lt3A_1947 = arith.constant 0 : i32
    %lt3A_1948 = arith.cmpi slt, %select_n3A_1941, %lt3A_1947 : i32
    %ne3A_1949 = arith.xori %lt3A_1946, %lt3A_1948 : i1
    %and3A_1950 = arith.andi %ne3A_1949, %ne3A_1944 : i1
    %add3A_1951 = arith.addi %rem3A_1942, %select_n3A_1941 : i32
    %select_n3A_1952 = arith.select %and3A_1950, %add3A_1951, %rem3A_1942 : i32
    %mul3A_1953 = arith.constant 48 : i32
    %mul3A_1954 = arith.muli %select_n3A_1952, %mul3A_1953 : i32
    %dma_wait3A_1955 = arith.constant 0 : i32
    %dma_wait3A_1956 = arith.constant 0 : i32
    %dma_wait3A_1957 = arith.constant 0 : i32
    %dma_wait3A_1958 = arith.constant 0 : i32
    %dma_wait3A_1959 = tpu.memref_slice %arg5[%dma_wait3A_1955, %dma_wait3A_1957, %dma_wait3A_1958] : memref<2x576x48xf32, #tpu.memory_space<vmem>> -> memref<1x576x48xf32, #tpu.memory_space<vmem>>
    %dma_wait3A_1960 = tpu.memref_squeeze %dma_wait3A_1959 : memref<1x576x48xf32, #tpu.memory_space<vmem>> -> memref<576x48xf32, #tpu.memory_space<vmem>>
    %dma_wait3A_1961 = arith.constant 0 : i32
    %dma_wait3A_1962 = tpu.memref_slice %arg3[%select_n3A_1936, %dma_wait3A_1961, %mul3A_1954] : memref<16x576x768xf32, #tpu.memory_space<hbm>> -> memref<1x576x48xf32, #tpu.memory_space<hbm>>
    %dma_wait3A_1963 = tpu.memref_squeeze %dma_wait3A_1962 : memref<1x576x48xf32, #tpu.memory_space<hbm>> -> memref<576x48xf32, #tpu.memory_space<hbm>>
    %dma_wait3A_1964 = tpu.memref_slice %arg7[%dma_wait3A_1956] : memref<2x!tpu.dma_semaphore, #tpu.memory_space<semaphore_mem>> -> memref<1x!tpu.dma_semaphore, #tpu.memory_space<semaphore_mem>>
    %dma_wait3A_1965 = tpu.memref_squeeze %dma_wait3A_1964 : memref<1x!tpu.dma_semaphore, #tpu.memory_space<semaphore_mem>> -> memref<!tpu.dma_semaphore, #tpu.memory_space<semaphore_mem>>
    %dma_wait3A_1966 = arith.constant 0 : i32
    %dma_wait3A_1967 = tpu.memref_slice %arg3[%select_n3A_1936, %dma_wait3A_1966, %mul3A_1954] : memref<16x576x768xf32, #tpu.memory_space<hbm>> -> memref<1x576x48xf32, #tpu.memory_space<hbm>>
    %dma_wait3A_1968 = tpu.memref_squeeze %dma_wait3A_1967 : memref<1x576x48xf32, #tpu.memory_space<hbm>> -> memref<576x48xf32, #tpu.memory_space<hbm>>
    %dma_wait3A_1969 = arith.constant 0 : i32
    %dma_wait3A_1970 = arith.constant 0 : i32
    %dma_wait3A_1971 = tpu.memref_slice %arg5[%dma_wait3A_1955, %dma_wait3A_1969, %dma_wait3A_1970] : memref<2x576x48xf32, #tpu.memory_space<vmem>> -> memref<1x576x48xf32, #tpu.memory_space<vmem>>
    %dma_wait3A_1972 = tpu.memref_squeeze %dma_wait3A_1971 : memref<1x576x48xf32, #tpu.memory_space<vmem>> -> memref<576x48xf32, #tpu.memory_space<vmem>>
    tpu.wait_dma2 semaphore(%dma_wait3A_1965 : memref<!tpu.dma_semaphore, #tpu.memory_space<semaphore_mem>>) src(%dma_wait3A_1972 : memref<576x48xf32, #tpu.memory_space<vmem>>) dst(%dma_wait3A_1968 : memref<576x48xf32, #tpu.memory_space<hbm>>)
    %mul3A_1973 = arith.constant 8 : i32
    %mul3A_1974 = arith.muli %add3A, %mul3A_1973 : i32
    %add3A_1975 = arith.constant 7 : i32
    %add3A_1976 = arith.addi %mul3A_1974, %add3A_1975 : i32
    %jit3A_1977 = arith.constant 16 : i32
    %div3A_1978 = arith.divsi %add3A_1976, %jit3A_1977 : i32
    %sign3A_1979 = arith.constant 0 : i32
    %sign3A_1980 = arith.cmpi sgt, %add3A_1976, %sign3A_1979 : i32
    %sign3A_1981 = arith.extui %sign3A_1980 : i1 to i32
    %sign3A_1982 = arith.constant 0 : i32
    %sign3A_1983 = arith.cmpi slt, %add3A_1976, %sign3A_1982 : i32
    %sign3A_1984 = arith.extui %sign3A_1983 : i1 to i32
    %sign3A_1985 = arith.subi %sign3A_1981, %sign3A_1984 : i32
    %sign3A_1986 = arith.constant 0 : i32
    %sign3A_1987 = arith.cmpi sgt, %jit3A_1977, %sign3A_1986 : i32
    %sign3A_1988 = arith.extui %sign3A_1987 : i1 to i32
    %sign3A_1989 = arith.constant 0 : i32
    %sign3A_1990 = arith.cmpi slt, %jit3A_1977, %sign3A_1989 : i32
    %sign3A_1991 = arith.extui %sign3A_1990 : i1 to i32
    %sign3A_1992 = arith.subi %sign3A_1988, %sign3A_1991 : i32
    %ne3A_1993 = arith.cmpi ne, %sign3A_1985, %sign3A_1992 : i32
    %rem3A_1994 = arith.remsi %add3A_1976, %jit3A_1977 : i32
    %ne3A_1995 = arith.constant 0 : i32
    %ne3A_1996 = arith.cmpi ne, %rem3A_1994, %ne3A_1995 : i32
    %and3A_1997 = arith.andi %ne3A_1993, %ne3A_1996 : i1
    %sub3A_1998 = arith.constant 1 : i32
    %sub3A_1999 = arith.subi %div3A_1978, %sub3A_1998 : i32
    %select_n3A_2000 = arith.select %and3A_1997, %sub3A_1999, %div3A_1978 : i32
    %jit3A_2001 = arith.constant 16 : i32
    %eq3A_2002 = arith.constant 0 : i32
    %eq3A_2003 = arith.cmpi eq, %jit3A_2001, %eq3A_2002 : i32
    %jit3A_2004 = arith.constant 1 : i32
    %select_n3A_2005 = arith.select %eq3A_2003, %jit3A_2004, %jit3A_2001 : i32
    %rem3A_2006 = arith.remsi %add3A_1976, %select_n3A_2005 : i32
    %ne3A_2007 = arith.constant 0 : i32
    %ne3A_2008 = arith.cmpi ne, %rem3A_2006, %ne3A_2007 : i32
    %lt3A_2009 = arith.constant 0 : i32
    %lt3A_2010 = arith.cmpi slt, %rem3A_2006, %lt3A_2009 : i32
    %lt3A_2011 = arith.constant 0 : i32
    %lt3A_2012 = arith.cmpi slt, %select_n3A_2005, %lt3A_2011 : i32
    %ne3A_2013 = arith.xori %lt3A_2010, %lt3A_2012 : i1
    %and3A_2014 = arith.andi %ne3A_2013, %ne3A_2008 : i1
    %add3A_2015 = arith.addi %rem3A_2006, %select_n3A_2005 : i32
    %select_n3A_2016 = arith.select %and3A_2014, %add3A_2015, %rem3A_2006 : i32
    %mul3A_2017 = arith.constant 48 : i32
    %mul3A_2018 = arith.muli %select_n3A_2016, %mul3A_2017 : i32
    %dma_wait3A_2019 = arith.constant 1 : i32
    %dma_wait3A_2020 = arith.constant 1 : i32
    %dma_wait3A_2021 = arith.constant 0 : i32
    %dma_wait3A_2022 = arith.constant 0 : i32
    %dma_wait3A_2023 = tpu.memref_slice %arg5[%dma_wait3A_2019, %dma_wait3A_2021, %dma_wait3A_2022] : memref<2x576x48xf32, #tpu.memory_space<vmem>> -> memref<1x576x48xf32, #tpu.memory_space<vmem>>
    %dma_wait3A_2024 = tpu.memref_squeeze %dma_wait3A_2023 : memref<1x576x48xf32, #tpu.memory_space<vmem>> -> memref<576x48xf32, #tpu.memory_space<vmem>>
    %dma_wait3A_2025 = arith.constant 0 : i32
    %dma_wait3A_2026 = tpu.memref_slice %arg3[%select_n3A_2000, %dma_wait3A_2025, %mul3A_2018] : memref<16x576x768xf32, #tpu.memory_space<hbm>> -> memref<1x576x48xf32, #tpu.memory_space<hbm>>
    %dma_wait3A_2027 = tpu.memref_squeeze %dma_wait3A_2026 : memref<1x576x48xf32, #tpu.memory_space<hbm>> -> memref<576x48xf32, #tpu.memory_space<hbm>>
    %dma_wait3A_2028 = tpu.memref_slice %arg7[%dma_wait3A_2020] : memref<2x!tpu.dma_semaphore, #tpu.memory_space<semaphore_mem>> -> memref<1x!tpu.dma_semaphore, #tpu.memory_space<semaphore_mem>>
    %dma_wait3A_2029 = tpu.memref_squeeze %dma_wait3A_2028 : memref<1x!tpu.dma_semaphore, #tpu.memory_space<semaphore_mem>> -> memref<!tpu.dma_semaphore, #tpu.memory_space<semaphore_mem>>
    %dma_wait3A_2030 = arith.constant 0 : i32
    %dma_wait3A_2031 = tpu.memref_slice %arg3[%select_n3A_2000, %dma_wait3A_2030, %mul3A_2018] : memref<16x576x768xf32, #tpu.memory_space<hbm>> -> memref<1x576x48xf32, #tpu.memory_space<hbm>>
    %dma_wait3A_2032 = tpu.memref_squeeze %dma_wait3A_2031 : memref<1x576x48xf32, #tpu.memory_space<hbm>> -> memref<576x48xf32, #tpu.memory_space<hbm>>
    %dma_wait3A_2033 = arith.constant 0 : i32
    %dma_wait3A_2034 = arith.constant 0 : i32
    %dma_wait3A_2035 = tpu.memref_slice %arg5[%dma_wait3A_2019, %dma_wait3A_2033, %dma_wait3A_2034] : memref<2x576x48xf32, #tpu.memory_space<vmem>> -> memref<1x576x48xf32, #tpu.memory_space<vmem>>
    %dma_wait3A_2036 = tpu.memref_squeeze %dma_wait3A_2035 : memref<1x576x48xf32, #tpu.memory_space<vmem>> -> memref<576x48xf32, #tpu.memory_space<vmem>>
    tpu.wait_dma2 semaphore(%dma_wait3A_2029 : memref<!tpu.dma_semaphore, #tpu.memory_space<semaphore_mem>>) src(%dma_wait3A_2036 : memref<576x48xf32, #tpu.memory_space<vmem>>) dst(%dma_wait3A_2032 : memref<576x48xf32, #tpu.memory_space<hbm>>)
    return
  }
}

</mosaic_0001>

<sc_bundles>
// kernel: kernel.3.cloned.1.call-start
scs
__scs_entry_jumppad:
0x0: {  	(pc) =	sbr.rel $0x88, $3  }
0x1: {  	(tag) =	ssettag $0x0;
	lr =	simm.s32 $0x1  }
0x2: {  	[smem:$0x3FA0] =	sst lr;
	_ =	strace $0xD0000000  }
0x3: {  	_ = 	snop  }
0x4: {  	_ = 	snop  }
0x5: {  	_ = 	snop  }
0x6: {  	_ = 	snop  }
0x7: {  	_ = 	snop  }
__scs_overlays_trampoline_lowered:
0x8: {  	[smem:$0x3FAF] =	sst s0  }
0x9: {  	[smem:$0x3FB0] =	sst s1  }
0xa: {  	[smem:$0x3FB1] =	sst s2  }
0xb: {  	[smem:$0x3FB2] =	sst s3  }
0xc: {  	[smem:$0x3FB3] =	sst s4  }
0xd: {  	[smem:$0x3FB4] =	sst s5  }
0xe: {  	[smem:$0x3FB5] =	sst s6  }
0xf: {  	[smem:$0x3FB6] =	sst s7  }
0x10: {  	[smem:$0x3FB7] =	sst s8  }
0x11: {  	[smem:$0x3FB8] =	sst s9;
	s0 =	simm.s32 @!p0 $0x0  }
0x12: {  	s1 =	sld [smem:$0x3F9E];
	s0 =	simm.s32 @p0 $0x1  }
0x13: {  	[smem:$0x3FB9] =	sst s0;
	s0 =	simm.s32 @!p1 $0x0  }
0x14: {  	s2 =	sld [smem:$0x3F9D];
	s0 =	simm.s32 @p1 $0x1  }
0x15: {  	[smem:$0x3FBA] =	sst s0;
	s0 =	simm.s32 @!p2 $0x0  }
0x16: {  	s3 =	sld [smem:$0x3FDB];
	s0 =	simm.s32 @p2 $0x1  }
0x17: {  	s4 =	simm.s32 $0x1BF5;
	[smem:$0x3FBC] =	sst s0  }
0x18: {  	s0 =	sld [smem:$0x3F9F];
	_ =	swait.ge [sflag:s4], $0x0  }
0x19: {  	s7 =	sld [smem:$0x3FA0]  }
0x1a: {  	s8 =	sadd.s32 $0xFFFFE003, lr  }
0x1b: {  	s9 =	sadd.s32 $0xFFFFFEF7, lr;
	s5 =	simm.s32 $0xFFFFFFFF;
	p2 =	slt.u32 s8, $0xFFFFF086  }
0x1c: {  	p1 =	slt.u32 s9, $0xF7A;
	s5 =	simm.s32 @!p2 $0x0  }
0x1d: {  	s5 =	simm.s32 @p1 $0x1;
	p0 =	seq.s32 s7, s2  }
0x1e: {  	s7 =	smul.u32 @!p0 $0xF7A, s2;
	p2 =	seq.s32 @!p0 s5, $0x0  }
0x1f: {  	s9 =	smul.u32 $0xF7A, s1;
	s8 =	simm.s32 @!p0 $0x1BF5;
	p2 =	por !p2, p0  }
0x20: {  	[sflag:s8] =	ssyncset.s32 @!p0 $0xFFFFF086;
	s6 =	sadd.s32 @!p0 s3, s7;
	s7 =	simm.s32 @!p0 $0x108  }
0x21: {  	s3 =	sadd.s32 s3, s9;
	s6 =	sadd.s32 @!p0 $0x88, s6;
	s7 =	simm.s32 @p2 $0x1082  }
0x22: {  	[simem:s7], [sflag:s8] =	dma.local @!p0 [hbm:s6], $0xF7A  }
0x23: {  	s9 =	sor.u32 $0xD0000000, s2;
	s6 =	simm.s32 $0x108;
	_ =	swait.ge @!p0 [sflag:s8], $0x0  }
0x24: {  	s3 =	sadd.s32 $0x88, s3;
	s6 =	simm.s32 @!p1 $0x1082;
	[sflag:s4] =	ssyncset.s32 $0xFFFFF086  }
0x25: {  	[simem:s6], [sflag:s4] =	dma.local [hbm:s3], $0xF7A  }
0x26: {  	[smem:$0x3FA0] =	sst s1;
	(tag) =	ssettag s2;
	_ =	strace s9  }
0x27: {  	s1 =	sld [smem:$0x3FB0]  }
0x28: {  	s2 =	sld [smem:$0x3FB1]  }
0x29: {  	s4 =	sld [smem:$0x3FB3]  }
0x2a: {  	p0 =	seq.s32 s5, $0x0;
	s5 =	sld [smem:$0x3FB4]  }
0x2b: {  	s6 =	sld [smem:$0x3FB5]  }
0x2c: {  	s7 =	sld [smem:$0x3FB6]  }
0x2d: {  	s3 =	simm.s32 $0x108;
	s8 =	sld [smem:$0x3FB7]  }
0x2e: {  	s3 =	simm.s32 @!p0 $0x1082;
	s9 =	sld [smem:$0x3FB8]  }
0x2f: {  	lr =	sadd.s32 s0, s3;
	s0 =	sld [smem:$0x3FAF]  }
0x30: {  	s3 =	sld [smem:$0x3FB2]  }
0x31: {  	[smem:$0x3FBB] =	sst s10  }
0x32: {  	s10 =	sld [smem:$0x3FB9];
	_ =	sdelay $0x3  }
0x33: {  	p0 =	seq.s32 s10, $0x1;
	s10 =	sld [smem:$0x3FBB];
	_ =	sdelay $0x3  }
0x34: {  	[smem:$0x3FBB] =	sst s10  }
0x35: {  	s10 =	sld [smem:$0x3FBA];
	_ =	sdelay $0x3  }
0x36: {  	p1 =	seq.s32 s10, $0x1;
	s10 =	sld [smem:$0x3FBB];
	_ =	sdelay $0x3  }
0x37: {  	[smem:$0x3FBB] =	sst s10  }
0x38: {  	s10 =	sld [smem:$0x3FBC]  }
0x39: {  	_ = 	snop;
	(pc) =	sbr.ind lr, $3  }
0x3a: {  	_ = 	snop  }
0x3b: {  	_ = 	snop  }
0x3c: {  	p2 =	seq.s32 s10, $0x1;
	s10 =	sld [smem:$0x3FBB]  }
0x3d: {  	_ =	shalt  }
0x3e: {  	_ =	shalt  }
0x3f: {  	_ =	shalt  }
0x40: {  	_ =	shalt  }
0x41: {  	_ =	shalt  }
0x42: {  	_ =	shalt  }
0x43: {  	_ =	shalt  }
0x44: {  	_ =	shalt  }
0x45: {  	_ =	shalt  }
0x46: {  	_ =	shalt  }
0x47: {  	_ =	shalt  }
0x48: {  	_ =	shalt  }
0x49: {  	_ =	shalt  }
0x4a: {  	_ =	shalt  }
0x4b: {  	_ =	shalt  }
0x4c: {  	_ =	shalt  }
0x4d: {  	_ =	shalt  }
0x4e: {  	_ =	shalt  }
0x4f: {  	_ =	shalt  }
0x50: {  	_ =	shalt  }
0x51: {  	_ =	shalt  }
0x52: {  	_ =	shalt  }
0x53: {  	_ =	shalt  }
0x54: {  	_ =	shalt  }
0x55: {  	_ =	shalt  }
0x56: {  	_ =	shalt  }
0x57: {  	_ =	shalt  }
0x58: {  	_ =	shalt  }
0x59: {  	_ =	shalt  }
0x5a: {  	_ =	shalt  }
0x5b: {  	_ =	shalt  }
0x5c: {  	_ =	shalt  }
0x5d: {  	_ =	shalt  }
0x5e: {  	_ =	shalt  }
0x5f: {  	_ =	shalt  }
0x60: {  	_ =	shalt  }
0x61: {  	_ =	shalt  }
0x62: {  	_ =	shalt  }
0x63: {  	_ =	shalt  }
0x64: {  	_ =	shalt  }
0x65: {  	_ =	shalt  }
0x66: {  	_ =	shalt  }
0x67: {  	_ =	shalt  }
0x68: {  	_ =	shalt  }
0x69: {  	_ =	shalt  }
0x6a: {  	_ =	shalt  }
0x6b: {  	_ =	shalt  }
0x6c: {  	_ =	shalt  }
0x6d: {  	_ =	shalt  }
0x6e: {  	_ =	shalt  }
0x6f: {  	_ =	shalt  }
0x70: {  	_ =	shalt  }
0x71: {  	_ =	shalt  }
0x72: {  	_ =	shalt  }
0x73: {  	_ =	shalt  }
0x74: {  	_ =	shalt  }
0x75: {  	_ =	shalt  }
0x76: {  	_ =	shalt  }
0x77: {  	_ =	shalt  }
0x78: {  	_ =	shalt  }
0x79: {  	_ =	shalt  }
0x7a: {  	_ =	shalt  }
0x7b: {  	_ =	shalt  }
0x7c: {  	_ =	shalt  }
0x7d: {  	_ =	shalt  }
0x7e: {  	_ =	shalt  }
0x7f: {  	_ =	shalt  }
0x80: {  	_ =	shalt  }
0x81: {  	_ =	shalt  }
0x82: {  	_ =	shalt  }
0x83: {  	_ =	shalt  }
0x84: {  	_ =	shalt  }
0x85: {  	_ =	shalt  }
0x86: {  	_ =	shalt  }
0x87: {  	_ =	shalt  }
.Lfunc_end0:
.L_simem_size_0:
called_computation_lowered:
.L_overlay_start_0:
0x88: {  	s2 =	sld [smem:$0x3FD9]  }
0x89: {  	s3 =	sld [smem:$0x3FFE];
	_ =	sdelay $0x1  }
0x8a: {  	s1 =	srdreg.scid  }
0x8b: {  	s0 =	sand.u32 $0x1, s1  }
0x8c: {  	s14 =	sshll.u32 s0, $0xA;
	s2 =	sadd.s32 s3, s2  }
0x8d: {  	s2 =	sadd.s32 s2, s14  }
0x8e: {  	[smem:$0x3FC7] =	sst s2  }
0x8f: {  	_ = 	snop  }
0x90: {  	s2 =	sld [smem:$0x3FD0];
	_ =	sdelay $0x2  }
0x91: {  	s15 =	simm.s32 $0xA;
	s4 =	simm.s32 $0x10  }
0x92: {  	[smem:s4], [sflag:s15] =	dma.local [hbm:s2], $0x1  }
0x93: {  	_ =	swait.eq [sflag:s15], $0x1  }
0x94: {  	[sflag:s15] =	ssyncset.done $0x0  }
0x95: {  	[sflag:s15] =	ssyncadd.s32 $0xFFFFFFFF  }
0x96: {  	s16 =	sld [smem:$0x10];
	(tm) =	ssettm $0x1  }
0x97: {  	s17 =	sld [smem:$0x3FFB];
	_ =	sdelay $0x3  }
0x98: {  	_ =	strace s17  }
0x99: {  	s3 =	sld [smem:$0x3FFC];
	_ =	sdelay $0x3  }
0x9a: {  	_ =	strace s3  }
0x9b: {  	s3 =	sld [smem:$0x3FFD];
	_ =	sdelay $0x3  }
0x9c: {  	_ =	strace s3  }
0x9d: {  	_ =	strace $0x8FFFFFFF  }
0x9e: {  	s18 =	sld [smem:$0x3FDB];
	_ =	sdelay $0x1  }
0x9f: {  	s19 =	simm.s32 $_scs_section_size  }
0xa0: {  	s5 =	simm.s32 $_size__tile_overlayer_lowered;
	s6 =	simm.s32 $_tile_overlayer_lowered  }
0xa1: {  	s22 =	simm.s32 $0x1BFF;
	s21 =	sshll.u32 s6, $0x1;
	s3 =	sadd.s32 s19, s18  }
0xa2: {  	s7 =	simm.s32 $0x0;
	s20 =	sshll.u32 s5, $0x1;
	s5 =	sadd.s32 s21, s3  }
0xa3: {  	[timem:s7], [sflag:s22] =	dma.local [hbm:s5], s20  }
0xa4: {  	_ =	swait.ge [sflag:s22], s20  }
0xa5: {  	s4 =	ssub.s32 $0x0, s20;
	[sflag:s22] =	ssyncset.done $0x0  }
0xa6: {  	[sflag:s22] =	ssyncadd.s32 s4;
	_ =	sdelay $0x1  }
0xa7: {  	s23 =	simm.s32 $0x1B8B  }
0xa8: {  	_ =	swait.ge [sflag:s23], $0x1  }
0xa9: {  	[sflag:s23] =	ssyncset.done $0x0  }
0xaa: {  	s25 =	simm.s32 $0x1B8E;
	s24 =	sld [smem:$0x3FFE];
	[sflag:s23] =	ssyncadd.s32 $0xFFFFFFFF  }
0xab: {  	s26 =	simm.s32 $execute0_lowered;
	[smem:$0x3FD2] =	sst s25  }
0xac: {  	s5 =	sshll.u32 s26, $0x1;
	_ =	strace $0x80000046;
	[dreg:$0x1] =	wrdreg $0xFFFFFFFF  }
0xad: {  	s28 =	simm.s32 $_size_execute0_lowered;
	s3 =	sadd.s32 s3, s5;
	[dreg:$0x0] =	wrdreg $0x0  }
0xae: {  	s5 =	sshll.u32 s28, $0x1;
	[dreg:$0x2] =	wrdreg s3  }
0xaf: {  	[dreg:$0x3] =	wrdreg s5  }
0xb0: {  	[dreg:$0x4] =	wrdreg $0xC0  }
0xb1: {  	_ =	task [dreg:s7], $0x5FFFF  }
0xb2: {  	[dreg:$0x1] =	wrdreg $0xFFFFFFFF  }
0xb3: {  	[dreg:$0x0] =	wrdreg $0x60  }
0xb4: {  	[dreg:$0x2] =	wrdreg s16  }
0xb5: {  	[dreg:$0x3] =	wrdreg s24  }
0xb6: {  	[dreg:$0x4] =	wrdreg $0x9  }
0xb7: {  	_ =	task.clear_ibuf [dreg:s7], $0x5FFFF;
	_ =	strace $0x90000046  }
0xb8: {  	s29 =	simm.s32 $0x9;
	_ =	strace $0x80000048  }
0xb9: {  	_ =	swait.ge [sflag:s29], $0x1  }
0xba: {  	[sflag:s29] =	ssyncadd.s32 $0xFFFFFFFF  }
0xbb: {  	_ =	strace $0x90000048  }
0xbc: {  	_ =	sfence  }
0xbd: {  	s30 =	sld [smem:$0x0];
	_ =	sdelay $0x2  }
0xbe: {  	s31 =	sshll.u32 s1, $0xD;
	s1 =	sshrl.u32 s1, $0x2  }
0xbf: {  	s3 =	sand.u32 $0x4000, s31;
	s1 =	sadd.s32 s1, s30  }
0xc0: {  	s0 =	sor.u32 s3, s0;
	s1 =	sshll.u32 s1, $0x11  }
0xc1: {  	s0 =	sor.u32 s1, s0  }
0xc2: {  	s0 =	sadd.s32 $0x8F2B, s0  }
0xc3: {  	[sflag:s0] =	ssyncadd.remote.s32 $0x1  }
0xc4: {  	_ =	sfence.sel $0xFFFF  }
0xc5: {  	[dreg:$0x0] =	wrdreg $0xFFFFFFFF;
	(pc) =	sbr.abs _section_cstart, $3  }
0xc6: {  	[dreg:$0x1] =	wrdreg $0xFFFFFFFF  }
0xc7: {  	_ =	task.clear_ibuf [dreg:s7], $0x2FFFF;
	_ =	strace $0x9FFFFFFF  }
0xc8: {  	(tm) =	ssettm $0x7FFFFFFF  }
0xc9: {  	_ =	shalt  }
tec
execute0_lowered:
.L_overlay_start_1:
0x0: {  	(tag) =	ssettag $0x1  }
0x1: {  	s1 =	srdreg.scid  }
0x2: {  	s0 =	stileid.u32;
	s28 =	sand.u32 $0x1, s1  }
0x3: {  	s25 =	rddreg [dreg:$0x0];
	s1 =	sor.u32 s28, s0  }
0x4: {  	s3 =	rddreg [dreg:$0x1];
	p1 =	seq.s32 s28, $0x1;
	p0 =	seq.s32 s1, $0x0  }
0x5: {  	s9 =	simm.s32 $0x300;
	s10 =	simm.s32 $0xD800;
	p0 =	por !p0, !p1  }
0x6: {  	s30 =	smul.u32 $0x6C000, s0;
	s1 =	simm.s32 $0x1;
	p0 =	por !p0, !p0  }
0x7: {  	s11 =	simm.s32 $0x2;
	s4 =	smul.u32 $0x36000, s28;
	s1 =	simm.s32 @!p0 $0x0  }
0x8: {  	s22 =	sshll.u32 s28, $0x3;
	s8 =	smul.u32 $0x180, s28;
	s2 =	ssub.s32 s0, s1  }
0x9: {  	s29 =	sadd.s32 $0x400, s3;
	s7 =	sor.u32 $0x1, s22;
	s5 =	smul.u32 $0x6C000, s2  }
0xa: {  	s3 =	simm.s32 $0x1;
	s16 =	sor.u32 $0x2, s22;
	s6 =	smul.u32 $0x6C00, s7  }
0xb: {  	s31 =	smul.u32 $0x6C00, s16;
	s2 =	simm.s32 $0x0;
	s4 =	sadd.s32 s4, s5  }
0xc: {  	s13 =	smul.u32 $0x30, s7;
	[smem:$0x7FF] =	sst s2;
	s4 =	sshrl.u32 s4, $0x3  }
0xd: {  	s6 =	sadd.s32 s30, s6;
	_ =	strace $0x80000047;
	s4 =	sadd.s32 s25, s4  }
0xe: {  	[tilespmem:s2], [sflag:$0x1] =	stream.linear.gather [hbm4b:s4+s2], $0x6C00, $0x38;
	[tilespmem:$0x1B000] =	vst v63  }
0xf: {  	s7 =	simm.s32 $0x6C00;
	s6 =	sshrl.u32 s6, $0x3;
	_ =	swait.ge [sflag:s3], $0x6C00  }
0x10: {  	s8 =	sor.u32 s8, s5;
	s5 =	sadd.s32 s25, s6;
	[sflag:s3] =	ssyncset.done $0x0  }
0x11: {  	s26 =	sshrl.u32 s8, $0x3;
	s8 =	sadd.s32 s30, s31;
	[sflag:s3] =	ssyncadd.s32 $0xFFFF9400  }
0x12: {  	[tilespmem:s7], [sflag:$0x2] =	stream.linear.gather [hbm4b:s5+s2], $0x6C00, $0x38;
	[tilespmem:$0x1B000] =	vst v63  }
0x13: {  	s6 =	sadd.s32 s29, s26;
	s12 =	sshrl.u32 s8, $0x3;
	s8 =	simm.s32 $0x30  }
0x14: {  	[hbm4b:s6+s8] =	stream.strided.scatter [tilespmem:s10], [sflag:$0x3], $0x6C00, s9, s8, $0x38;
	[tilespmem:$0x1B000] =	vst v63  }
0x15: {  	s19 =	sor.u32 $0x3, s22;
	_ =	swait.ge [sflag:s11], $0x6C00  }
0x16: {  	s14 =	smul.u32 $0x6C00, s19;
	s13 =	sor.u32 s30, s13;
	[sflag:s11] =	ssyncset.done $0x0  }
0x17: {  	s13 =	sshrl.u32 s13, $0x3;
	s12 =	sadd.s32 s25, s12;
	[sflag:s11] =	ssyncadd.s32 $0xFFFF9400  }
0x18: {  	[tilespmem:s2], [sflag:$0x1] =	stream.linear.gather [hbm4b:s12+s2], $0x6C00, $0x38;
	[tilespmem:$0x1B000] =	vst v63  }
0x19: {  	s15 =	sadd.s32 s30, s14;
	s14 =	simm.s32 $0x14400;
	s13 =	sadd.s32 s29, s13  }
0x1a: {  	[hbm4b:s13+s8] =	stream.strided.scatter [tilespmem:s14], [sflag:$0x4], $0x6C00, s9, s8, $0x38;
	[tilespmem:$0x1B000] =	vst v63  }
0x1b: {  	_ =	swait.ge [sflag:s3], $0x6C00  }
0x1c: {  	s17 =	smul.u32 $0x30, s16;
	s15 =	sshrl.u32 s15, $0x3;
	[sflag:s3] =	ssyncset.done $0x0  }
0x1d: {  	s16 =	simm.s32 $0x3;
	s15 =	sadd.s32 s25, s15;
	[sflag:s3] =	ssyncadd.s32 $0xFFFF9400  }
0x1e: {  	[tilespmem:s7], [sflag:$0x2] =	stream.linear.gather [hbm4b:s15+s2], $0x6C00, $0x38;
	[tilespmem:$0x1B000] =	vst v63  }
0x1f: {  	s17 =	sor.u32 s30, s17;
	_ =	swait.ge [sflag:s16], $0x6C00  }
0x20: {  	s23 =	sor.u32 $0x4, s22;
	s17 =	sshrl.u32 s17, $0x3;
	[sflag:s16] =	ssyncset.done $0x0  }
0x21: {  	s18 =	smul.u32 $0x6C00, s23;
	s17 =	sadd.s32 s29, s17;
	[sflag:s16] =	ssyncadd.s32 $0xFFFF9400  }
0x22: {  	[hbm4b:s17+s8] =	stream.strided.scatter [tilespmem:s10], [sflag:$0x3], $0x6C00, s9, s8, $0x38;
	[tilespmem:$0x1B000] =	vst v63  }
0x23: {  	s18 =	sadd.s32 s30, s18;
	_ =	swait.ge [sflag:s11], $0x6C00  }
0x24: {  	s20 =	smul.u32 $0x30, s19;
	s18 =	sshrl.u32 s18, $0x3;
	[sflag:s11] =	ssyncset.done $0x0  }
0x25: {  	s19 =	simm.s32 $0x4;
	s18 =	sadd.s32 s25, s18;
	[sflag:s11] =	ssyncadd.s32 $0xFFFF9400  }
0x26: {  	[tilespmem:s2], [sflag:$0x1] =	stream.linear.gather [hbm4b:s18+s2], $0x6C00, $0x38;
	[tilespmem:$0x1B000] =	vst v63  }
0x27: {  	s20 =	sor.u32 s30, s20;
	_ =	swait.ge [sflag:s19], $0x6C00  }
0x28: {  	s24 =	sor.u32 $0x5, s22;
	s20 =	sshrl.u32 s20, $0x3;
	[sflag:s19] =	ssyncset.done $0x0  }
0x29: {  	s21 =	smul.u32 $0x6C00, s24;
	s20 =	sadd.s32 s29, s20;
	[sflag:s19] =	ssyncadd.s32 $0xFFFF9400  }
0x2a: {  	[hbm4b:s20+s8] =	stream.strided.scatter [tilespmem:s14], [sflag:$0x4], $0x6C00, s9, s8, $0x38;
	[tilespmem:$0x1B000] =	vst v63  }
0x2b: {  	s21 =	sadd.s32 s30, s21;
	_ =	swait.ge [sflag:s3], $0x6C00  }
0x2c: {  	s21 =	sshrl.u32 s21, $0x3;
	[sflag:s3] =	ssyncset.done $0x0  }
0x2d: {  	s23 =	smul.u32 $0x30, s23;
	s21 =	sadd.s32 s25, s21;
	[sflag:s3] =	ssyncadd.s32 $0xFFFF9400  }
0x2e: {  	[tilespmem:s7], [sflag:$0x2] =	stream.linear.gather [hbm4b:s21+s2], $0x6C00, $0x38;
	[tilespmem:$0x1B000] =	vst v63  }
0x2f: {  	s23 =	sor.u32 s30, s23;
	_ =	swait.ge [sflag:s16], $0x6C00  }
0x30: {  	s23 =	sshrl.u32 s23, $0x3;
	s26 =	sor.u32 $0x6, s22;
	[sflag:s16] =	ssyncset.done $0x0  }
0x31: {  	s22 =	sadd.s32 s29, s23;
	s1 =	smul.u32 $0x6C00, s26;
	[sflag:s16] =	ssyncadd.s32 $0xFFFF9400  }
0x32: {  	[hbm4b:s22+s8] =	stream.strided.scatter [tilespmem:s10], [sflag:$0x3], $0x6C00, s9, s8, $0x38;
	[tilespmem:$0x1B000] =	vst v63  }
0x33: {  	s23 =	sadd.s32 s30, s1;
	_ =	swait.ge [sflag:s11], $0x6C00  }
0x34: {  	s23 =	sshrl.u32 s23, $0x3;
	[sflag:s11] =	ssyncset.done $0x0  }
0x35: {  	s24 =	smul.u32 $0x30, s24;
	s23 =	sadd.s32 s25, s23;
	[sflag:s11] =	ssyncadd.s32 $0xFFFF9400  }
0x36: {  	[tilespmem:s2], [sflag:$0x1] =	stream.linear.gather [hbm4b:s23+s2], $0x6C00, $0x38;
	[tilespmem:$0x1B000] =	vst v63  }
0x37: {  	s24 =	sor.u32 s30, s24;
	_ =	swait.ge [sflag:s19], $0x6C00  }
0x38: {  	s24 =	sshrl.u32 s24, $0x3;
	s31 =	sshllo.u32 s28, $0x3;
	[sflag:s19] =	ssyncset.done $0x0  }
0x39: {  	s24 =	sadd.s32 s29, s24;
	s1 =	smul.u32 $0x6C00, s31;
	[sflag:s19] =	ssyncadd.s32 $0xFFFF9400  }
0x3a: {  	[hbm4b:s24+s8] =	stream.strided.scatter [tilespmem:s14], [sflag:$0x4], $0x6C00, s9, s8, $0x38;
	[tilespmem:$0x1B000] =	vst v63  }
0x3b: {  	s1 =	sadd.s32 s30, s1;
	_ =	swait.ge [sflag:s3], $0x6C00  }
0x3c: {  	s1 =	sshrl.u32 s1, $0x3;
	[sflag:s3] =	ssyncset.done $0x0  }
0x3d: {  	s26 =	smul.u32 $0x30, s26;
	s25 =	sadd.s32 s25, s1;
	[sflag:s3] =	ssyncadd.s32 $0xFFFF9400  }
0x3e: {  	[tilespmem:s7], [sflag:$0x2] =	stream.linear.gather [hbm4b:s25+s2], $0x6C00, $0x38;
	[tilespmem:$0x1B000] =	vst v63  }
0x3f: {  	s1 =	sor.u32 s30, s26;
	_ =	swait.ge [sflag:s16], $0x6C00  }
0x40: {  	s1 =	sshrl.u32 s1, $0x3;
	[sflag:s16] =	ssyncset.done $0x0  }
0x41: {  	s31 =	smul.u32 $0x30, s31;
	s26 =	sadd.s32 s29, s1;
	[sflag:s16] =	ssyncadd.s32 $0xFFFF9400  }
0x42: {  	[hbm4b:s26+s8] =	stream.strided.scatter [tilespmem:s10], [sflag:$0x3], $0x6C00, s9, s8, $0x38;
	[tilespmem:$0x1B000] =	vst v63  }
0x43: {  	_ =	swait.ge [sflag:s11], $0x6C00  }
0x44: {  	s1 =	sor.u32 s30, s31;
	s31 =	ssub.s32 $0x2, s28;
	[sflag:s11] =	ssyncset.done $0x0  }
0x45: {  	s1 =	sshrl.u32 s1, $0x3;
	s28 =	sshrl.u32 s31, $0x1;
	[sflag:s11] =	ssyncadd.s32 $0xFFFF9400  }
0x46: {  	s29 =	sadd.s32 s29, s1;
	s1 =	ssub.s32 s31, s28;
	_ =	swait.ge [sflag:s19], $0x6C00  }
0x47: {  	s1 =	smax.u32 s1, $0x1;
	[sflag:s19] =	ssyncset.done $0x0  }
0x48: {  	p0 =	sne.s32 s1, $0x1;
	[sflag:s19] =	ssyncadd.s32 $0xFFFF9400  }
0x49: {  	[hbm4b:s29+s8] =	stream.strided.scatter [tilespmem:s14], [sflag:$0x4], $0x6C00, s9, s8, $0x38;
	[tilespmem:$0x1B000] =	vst v63  }
.Ltmp0:
0x4a: {  	_ =	swait.ge [sflag:s16], $0x6C00;
	(pc) =	sbr.rel @!p0 .LBB2_2-.Ltmp0, $4  }
0x4b: {  	[sflag:s16] =	ssyncset.done $0x0  }
0x4c: {  	[sflag:s16] =	ssyncadd.s32 $0xFFFF9400  }
0x4d: {  	_ =	swait.ge [sflag:s19], $0x6C00  }
0x4e: {  	s28 =	sadd.s32 $0xFFFFFFFF, s1;
	[sflag:s19] =	ssyncset.done $0x0  }
.LBB2_1:
0x4f: {  	p0 =	sne.s32 s28, $0x1;
	s28 =	sadd.s32 $0xFFFFFFFF, s28;
	[sflag:s19] =	ssyncadd.s32 $0xFFFF9400  }
0x50: {  	[tilespmem:s2], [sflag:$0x1] =	stream.linear.gather [hbm4b:s4+s2], $0x6C00, $0x38;
	[tilespmem:$0x1B000] =	vst v63  }
0x51: {  	_ =	swait.ge [sflag:s3], $0x6C00  }
0x52: {  	[sflag:s3] =	ssyncset.done $0x0  }
0x53: {  	[sflag:s3] =	ssyncadd.s32 $0xFFFF9400  }
0x54: {  	[tilespmem:s7], [sflag:$0x2] =	stream.linear.gather [hbm4b:s5+s2], $0x6C00, $0x38;
	[tilespmem:$0x1B000] =	vst v63  }
0x55: {  	_ = 	snop  }
0x56: {  	[hbm4b:s6+s8] =	stream.strided.scatter [tilespmem:s10], [sflag:$0x3], $0x6C00, s9, s8, $0x38;
	[tilespmem:$0x1B000] =	vst v63  }
0x57: {  	_ =	swait.ge [sflag:s11], $0x6C00  }
0x58: {  	[sflag:s11] =	ssyncset.done $0x0  }
0x59: {  	[sflag:s11] =	ssyncadd.s32 $0xFFFF9400  }
0x5a: {  	[tilespmem:s2], [sflag:$0x1] =	stream.linear.gather [hbm4b:s12+s2], $0x6C00, $0x38;
	[tilespmem:$0x1B000] =	vst v63  }
0x5b: {  	_ = 	snop  }
0x5c: {  	[hbm4b:s13+s8] =	stream.strided.scatter [tilespmem:s14], [sflag:$0x4], $0x6C00, s9, s8, $0x38;
	[tilespmem:$0x1B000] =	vst v63  }
0x5d: {  	_ =	swait.ge [sflag:s3], $0x6C00  }
0x5e: {  	[sflag:s3] =	ssyncset.done $0x0  }
0x5f: {  	[sflag:s3] =	ssyncadd.s32 $0xFFFF9400  }
0x60: {  	[tilespmem:s7], [sflag:$0x2] =	stream.linear.gather [hbm4b:s15+s2], $0x6C00, $0x38;
	[tilespmem:$0x1B000] =	vst v63  }
0x61: {  	_ =	swait.ge [sflag:s16], $0x6C00  }
0x62: {  	[sflag:s16] =	ssyncset.done $0x0  }
0x63: {  	[sflag:s16] =	ssyncadd.s32 $0xFFFF9400  }
0x64: {  	[hbm4b:s17+s8] =	stream.strided.scatter [tilespmem:s10], [sflag:$0x3], $0x6C00, s9, s8, $0x38;
	[tilespmem:$0x1B000] =	vst v63  }
0x65: {  	_ =	swait.ge [sflag:s11], $0x6C00  }
0x66: {  	[sflag:s11] =	ssyncset.done $0x0  }
0x67: {  	[sflag:s11] =	ssyncadd.s32 $0xFFFF9400  }
0x68: {  	[tilespmem:s2], [sflag:$0x1] =	stream.linear.gather [hbm4b:s18+s2], $0x6C00, $0x38;
	[tilespmem:$0x1B000] =	vst v63  }
0x69: {  	_ =	swait.ge [sflag:s19], $0x6C00  }
0x6a: {  	[sflag:s19] =	ssyncset.done $0x0  }
0x6b: {  	[sflag:s19] =	ssyncadd.s32 $0xFFFF9400  }
0x6c: {  	[hbm4b:s20+s8] =	stream.strided.scatter [tilespmem:s14], [sflag:$0x4], $0x6C00, s9, s8, $0x38;
	[tilespmem:$0x1B000] =	vst v63  }
0x6d: {  	_ =	swait.ge [sflag:s3], $0x6C00  }
0x6e: {  	[sflag:s3] =	ssyncset.done $0x0  }
0x6f: {  	[sflag:s3] =	ssyncadd.s32 $0xFFFF9400  }
0x70: {  	[tilespmem:s7], [sflag:$0x2] =	stream.linear.gather [hbm4b:s21+s2], $0x6C00, $0x38;
	[tilespmem:$0x1B000] =	vst v63  }
0x71: {  	_ =	swait.ge [sflag:s16], $0x6C00  }
0x72: {  	[sflag:s16] =	ssyncset.done $0x0  }
0x73: {  	[sflag:s16] =	ssyncadd.s32 $0xFFFF9400  }
0x74: {  	[hbm4b:s22+s8] =	stream.strided.scatter [tilespmem:s10], [sflag:$0x3], $0x6C00, s9, s8, $0x38;
	[tilespmem:$0x1B000] =	vst v63  }
0x75: {  	_ =	swait.ge [sflag:s11], $0x6C00  }
0x76: {  	[sflag:s11] =	ssyncset.done $0x0  }
0x77: {  	[sflag:s11] =	ssyncadd.s32 $0xFFFF9400  }
0x78: {  	[tilespmem:s2], [sflag:$0x1] =	stream.linear.gather [hbm4b:s23+s2], $0x6C00, $0x38;
	[tilespmem:$0x1B000] =	vst v63  }
0x79: {  	_ =	swait.ge [sflag:s19], $0x6C00  }
0x7a: {  	[sflag:s19] =	ssyncset.done $0x0  }
0x7b: {  	[sflag:s19] =	ssyncadd.s32 $0xFFFF9400  }
0x7c: {  	[hbm4b:s24+s8] =	stream.strided.scatter [tilespmem:s14], [sflag:$0x4], $0x6C00, s9, s8, $0x38;
	[tilespmem:$0x1B000] =	vst v63  }
0x7d: {  	_ =	swait.ge [sflag:s3], $0x6C00  }
0x7e: {  	[sflag:s3] =	ssyncset.done $0x0  }
0x7f: {  	[sflag:s3] =	ssyncadd.s32 $0xFFFF9400  }
0x80: {  	[tilespmem:s7], [sflag:$0x2] =	stream.linear.gather [hbm4b:s25+s2], $0x6C00, $0x38;
	[tilespmem:$0x1B000] =	vst v63  }
0x81: {  	_ =	swait.ge [sflag:s16], $0x6C00  }
0x82: {  	[sflag:s16] =	ssyncset.done $0x0  }
0x83: {  	[sflag:s16] =	ssyncadd.s32 $0xFFFF9400  }
0x84: {  	[hbm4b:s26+s8] =	stream.strided.scatter [tilespmem:s10], [sflag:$0x3], $0x6C00, s9, s8, $0x38;
	[tilespmem:$0x1B000] =	vst v63  }
0x85: {  	_ =	swait.ge [sflag:s11], $0x6C00  }
0x86: {  	[sflag:s11] =	ssyncset.done $0x0  }
0x87: {  	[sflag:s11] =	ssyncadd.s32 $0xFFFF9400  }
0x88: {  	_ =	swait.ge [sflag:s19], $0x6C00  }
0x89: {  	[sflag:s19] =	ssyncset.done $0x0  }
0x8a: {  	[sflag:s19] =	ssyncadd.s32 $0xFFFF9400  }
0x8b: {  	[hbm4b:s29+s8] =	stream.strided.scatter [tilespmem:s14], [sflag:$0x4], $0x6C00, s9, s8, $0x38;
	[tilespmem:$0x1B000] =	vst v63  }
.Ltmp1:
0x8c: {  	_ =	swait.ge [sflag:s16], $0x6C00;
	(pc) =	sbr.rel @p0 .LBB2_1-.Ltmp1, $4  }
0x8d: {  	[sflag:s16] =	ssyncset.done $0x0  }
0x8e: {  	[sflag:s16] =	ssyncadd.s32 $0xFFFF9400  }
0x8f: {  	_ =	swait.ge [sflag:s19], $0x6C00  }
0x90: {  	[sflag:s19] =	ssyncset.done $0x0  }
.LBB2_2:
0x91: {  	[sflag:s19] =	ssyncadd.s32 $0xFFFF9400  }
0x92: {  	_ =	sfence.sel $0x180000  }
0x93: {  	[bflag:$0x0] =	sbarrier.arrive $0xFFFF  }
0x94: {  	_ =	strace $0x90000047  }
0x95: {  	[bflag:$0x2] =	sbarrier.arrive $0xFFFF  }
0x96: {  	p0 =	sne.s32 s0, $0x0;
	s0 =	rddreg [dreg:$0x2]  }
0x97: {  	s0 =	sadd.s32 @!p0 $0x100000, s0  }
0x98: {  	[sflag:s0] =	ssyncadd.tile.s32 @!p0 $0x1;
	_ =	shalt  }
.Lfunc_end2:
_tile_overlayer_lowered:
.L_overlay_start_2:
0x99: {  	(tag) =	ssettag $0x2  }
0x9a: {  	s0 =	rddreg [dreg:$0x0];
	s2 =	stileid.u32  }
0x9b: {  	s1 =	rddreg [dreg:$0x1];
	p0 =	sne.s32 s2, $0x0  }
0x9c: {  	s3 =	rddreg [dreg:$0x2];
	[bflag:$0x3] =	sbarrier.arrive $0xFFFF;
	s2 =	simm.s32 @!p0 $0x1C05  }
0x9d: {  	[timem:s3], [sflag:s2] =	dma.local @!p0 [hbm:s0], s1  }
0x9e: {  	s0 =	simm.s32 @!p0 $0x5  }
0x9f: {  	_ =	swait.ge @!p0 [sflag:s0], s1  }
0xa0: {  	s1 =	ssub.s32 @!p0 $0x0, s1;
	[sflag:s0] =	ssyncset.done @!p0 $0x0  }
0xa1: {  	[sflag:s0] =	ssyncadd.s32 @!p0 s1  }
0xa2: {  	[bflag:$0x3] =	sbarrier.arrive $0xFFFF  }
0xa3: {  	_ =	shalt  }

</sc_bundles>
